<compile_context>
chip_gen: v7x
topology: tpu7x:2x2x1
jax: 0.10.2.dev20260603
libtpu: 0.0.44.dev20260713+nightly
codegen_flags: <defaults>
</compile_context>

<pallas_src>
import functools

import jax
import jax.numpy as jnp
from jax import lax
from jax.experimental import pallas as pl
from jax.experimental.pallas import tpu as pltpu
from jax.experimental.pallas import tpu_sc as plsc

TM = 128
TK = 512
SL = 128
WIN = 2736
NC = 2
NS = 16
CH = 64


def _merge(acc, v, i):
    av, ai = acc
    keep = (av < v) | ((av == v) & (ai <= i))
    return jnp.where(keep, av, v), jnp.where(keep, ai, i)


def _bins_body(a_ref, ct_ref, a2_ref, c2_ref, out_ref):
    k = ct_ref.shape[1]
    a = a_ref[...].astype(jnp.bfloat16)
    a2 = a2_ref[...]
    m = a.shape[0]
    lane = lax.broadcasted_iota(jnp.int32, (m, SL), 1).astype(jnp.float32)
    inf = jnp.full((m, SL), jnp.inf, jnp.float32)
    acc_v, acc_s = inf, jnp.zeros((m, SL), jnp.float32)
    wins = []

    def collapse(av, asl):
        v = jnp.min(av, axis=1, keepdims=True)
        kk = asl * float(SL) + lane
        i = jnp.min(jnp.where(av == v, kk, jnp.float32(k)),
                    axis=1, keepdims=True)
        return v, i

    for c in range(k // TK):
        lo = c * TK
        p = lax.dot_general(a, ct_ref[:, lo:lo + TK], (((1,), (0,)), ((), ())),
                            preferred_element_type=jnp.float32)
        d2 = a2 - 2.0 * p + c2_ref[:, lo:lo + TK]
        dist = jnp.sqrt(jnp.maximum(d2, 0.0))
        ns = TK // SL
        s0 = c * ns
        has_bnd = any(s0 * SL < w * WIN < (s0 + ns) * SL for w in (1, 2))
        if not has_bnd:
            for t in range(0, ns, 2):
                da = dist[:, t * SL:(t + 1) * SL]
                db = dist[:, (t + 1) * SL:(t + 2) * SL]
                mb = db < da
                v = jnp.minimum(da, db)
                sp = jnp.where(mb, jnp.float32(s0 + t + 1), jnp.float32(s0 + t))
                upd = v < acc_v
                acc_v = jnp.where(upd, v, acc_v)
                acc_s = jnp.where(upd, sp, acc_s)
            continue
        for t in range(ns):
            s = s0 + t
            d = dist[:, t * SL:(t + 1) * SL]
            bnd = [w for w in (1, 2) if s * SL < w * WIN < (s + 1) * SL]
            if bnd:
                off = bnd[0] * WIN - s * SL
                head = jnp.where(lane < off, d, inf)
                upd = head < acc_v
                acc_v = jnp.where(upd, head, acc_v)
                acc_s = jnp.where(upd, jnp.float32(s), acc_s)
                wins.append(collapse(acc_v, acc_s))
                acc_v, acc_s = inf, jnp.zeros((m, SL), jnp.float32)
                d = jnp.where(lane < off, inf, d)
            upd = d < acc_v
            acc_v = jnp.where(upd, d, acc_v)
            acc_s = jnp.where(upd, jnp.float32(s), acc_s)
    wins.append(collapse(acc_v, acc_s))
    av, ai = wins[0]
    for w in (1, 2):
        av = av.astype(jnp.bfloat16).astype(jnp.float32)
        av, ai = _merge((av, ai), wins[w][0], wins[w][1])
    out_ref[...] = ai.astype(jnp.int32)


def _compute_bins(a_bf, ct_bf, a2, c2):
    n, d = a_bf.shape
    k = ct_bf.shape[1]
    return pl.pallas_call(
        _bins_body,
        grid=(n // TM,),
        in_specs=[
            pl.BlockSpec((TM, d), lambda i: (i, 0)),
            pl.BlockSpec((d, k), lambda i: (0, 0)),
            pl.BlockSpec((TM, 1), lambda i: (i, 0)),
            pl.BlockSpec((1, k), lambda i: (0, 0)),
        ],
        out_specs=pl.BlockSpec((TM, 1), lambda i: (i, 0)),
        out_shape=jax.ShapeDtypeStruct((n, 1), jnp.int32),
    )(a_bf, ct_bf, a2, c2)


def _residual_body(n, cent_hbm, bins_hbm, act_hbm, out_hbm,
                   idx_v, rows_v, act_v, sem):
    wid = lax.axis_index("s") * NC + lax.axis_index("c")
    per_w = n // (NC * NS)
    d = act_v.shape[1]

    def chunk(t, carry):
        base = wid * per_w + t * CH
        pltpu.sync_copy(bins_hbm.at[pl.ds(base, CH)], idx_v)
        gather = pltpu.async_copy(cent_hbm.at[idx_v], rows_v, sem)
        pltpu.sync_copy(act_hbm.at[pl.ds(base, CH), :], act_v)
        gather.wait()

        nv = d // 16

        def sub(i, c):
            r = (4 * i) // nv
            o = ((4 * i) % nv) * 16
            for u in range(4):
                act_v[r, pl.ds(o + 16 * u, 16)] = (
                    act_v[r, pl.ds(o + 16 * u, 16)]
                    - rows_v[r, pl.ds(o + 16 * u, 16)])
            return c

        lax.fori_loop(0, CH * nv // 4, sub, 0)
        pltpu.sync_copy(act_v, out_hbm.at[pl.ds(base, CH), :])
        return carry

    lax.fori_loop(0, per_w // CH, chunk, 0)


def _compute_residual(centroids, bins, flat):
    n, d = flat.shape
    mesh = plsc.VectorSubcoreMesh(core_axis_name="c", subcore_axis_name="s")
    fn = functools.partial(
        pl.kernel,
        out_type=jax.ShapeDtypeStruct((n, d), jnp.float32),
        mesh=mesh,
        scratch_types=[
            pltpu.VMEM((CH,), jnp.int32),
            pltpu.VMEM((CH, d), jnp.float32),
            pltpu.VMEM((CH, d), jnp.float32),
            pltpu.SemaphoreType.DMA,
        ],
    )(functools.partial(_residual_body, n))
    return fn(centroids, bins, flat)


def kernel(action, centroids):
    b, t, d = action.shape
    k = centroids.shape[0]
    n = b * t
    flat = action.reshape(n, d)
    a2 = jnp.sum(flat * flat, axis=1).reshape(n, 1)
    c2 = jnp.sum(centroids * centroids, axis=1).reshape(1, k)
    ct_bf = centroids.T.astype(jnp.bfloat16)
    h = n // 2
    bins0 = _compute_bins(flat[:h], ct_bf, a2[:h], c2)
    bins1 = _compute_bins(flat[h:], ct_bf, a2[h:], c2)
    res0 = _compute_residual(centroids, bins0.reshape(h), flat[:h])
    res1 = _compute_residual(centroids, bins1.reshape(h), flat[h:])
    bins2d = jnp.concatenate([bins0, bins1], axis=0)
    residual = jnp.concatenate([res0, res1], axis=0)
    return (bins2d.reshape(b, t, 1).astype(jnp.int64),
            residual.reshape(b, t, d))

# --- scband reference (transcript-rebuilt; emitter-appended) ---
"""Pipeline reference for scband-encoder-decoder-81269371175375 (READ-ONLY COPY).

The authoritative reference and input builder live on the scoring server;
editing this copy changes nothing except your own understanding.
"""

import jax, jax.numpy as jnp
import numpy as np

B, T, D, K = 64, 256, 256, 8192

def setup_inputs(seed: int = 0) -> dict:
    key = jax.random.key(seed)
    k1, k2 = jax.random.split(key)
    action = jax.random.normal(k1, (B, T, D), dtype=jnp.float32)
    # stands in for the KMeans-fitted codebook buffer (num_bins x action_dim)
    centroids = jax.random.normal(k2, (K, D), dtype=jnp.float32)
    return {"action": action, "centroids": centroids}

def reference(action, centroids):
    Bb, Tt, Dd = action.shape
    flat = action.reshape(Bb * Tt, Dd)
    # torch.cdist (euclidean) via expansion: ||a-c||^2 = ||a||^2 - 2 a.c + ||c||^2
    a2 = jnp.sum(flat * flat, axis=1, keepdims=True)
    c2 = jnp.sum(centroids * centroids, axis=1)[None, :]
    d2 = a2 - 2.0 * (flat @ centroids.T) + c2
    dists = jnp.sqrt(jnp.maximum(d2, 0.0))
    action_bin = jnp.argmin(dists, axis=1)
    action_center = jnp.take(centroids, action_bin, axis=0)
    action_residual = (flat - action_center).reshape(Bb, Tt, Dd)
    action_bin_out = action_bin.reshape(Bb, Tt, 1).astype(jnp.int64)
    return action_bin_out, action_residual

if __name__ == "__main__":
    import jax
    _d = setup_inputs()
    print(jax.jit(kernel)(*tuple(_d.values())))

</pallas_src>

<mosaic_0001>
#map = affine_map<(d0, d1) -> (0, 0)>
#map1 = affine_map<(d0, d1) -> (0)>
module attributes {stable_mosaic.version = 14 : i64} {
  func.func @_residual_body(%arg0: i32, %arg1: i32, %arg2: memref<8192x256xf32, #tpu.memory_space<hbm>>, %arg3: memref<8192xi32, #tpu.memory_space<hbm>>, %arg4: memref<8192x256xf32, #tpu.memory_space<hbm>>, %arg5: memref<8192x256xf32, #tpu.memory_space<hbm>>, %arg6: memref<64xi32, #tpu.memory_space<vmem>>, %arg7: memref<64x256xf32, #tpu.memory_space<vmem>>, %arg8: memref<64x256xf32, #tpu.memory_space<vmem>>, %arg9: memref<!tpu.dma_semaphore, #tpu.memory_space<semaphore_mem>>) attributes {dimension_semantics = [#tpu.dimension_semantics<core_parallel>, #tpu.dimension_semantics<subcore_parallel>], iteration_bounds = array<i64: 2, 16>, scalar_prefetch = 0 : i64, scratch_operands = 4 : i64, tpu.core_type = #tpu.core_type<sc_vector_subcore>, window_params = [{transform_indices = #map}, {transform_indices = #map1}, {transform_indices = #map}, {transform_indices = #map}]} {
    %mul3A = arith.constant 2 : i32
    %mul3A_0 = arith.muli %arg1, %mul3A : i32
    %add3A = arith.addi %mul3A_0, %arg0 : i32
    %scan3A = arith.constant 0 : i32
    %scan3A_1 = arith.constant 0 : i32
    %scan3A_2 = arith.constant 4 : i32
    %scan3A_3 = arith.addi %scan3A_1, %scan3A_2 : i32
    %scan3A_4 = arith.constant 1 : i32
    scf.for %scan3A_6 = %scan3A_1 to %scan3A_3 step %scan3A_4  : i32 {
      %mul3A_7 = arith.constant 256 : i32
      %mul3A_8 = arith.muli %add3A, %mul3A_7 : i32
      %mul3A_9 = arith.constant 64 : i32
      %mul3A_10 = arith.muli %scan3A_6, %mul3A_9 : i32
      %add3A_11 = arith.addi %mul3A_8, %mul3A_10 : i32
      "tpu.region"() ({
        %run_scoped3A = tpu.sem_alloc : memref<!tpu.dma_semaphore, #tpu.memory_space<semaphore_mem>>
        %dma_start3A_22 = tpu.memref_slice %arg3[%add3A_11] : memref<8192xi32, #tpu.memory_space<hbm>> -> memref<64xi32, #tpu.memory_space<hbm>>
        %dma_start3A_23 = tpu.memref_slice %arg3[%add3A_11] : memref<8192xi32, #tpu.memory_space<hbm>> -> memref<64xi32, #tpu.memory_space<hbm>>
        tpu.enqueue_dma source(%dma_start3A_23 : memref<64xi32, #tpu.memory_space<hbm>>) target(%arg6 : memref<64xi32, #tpu.memory_space<vmem>>) target_semaphore(%run_scoped3A : memref<!tpu.dma_semaphore, #tpu.memory_space<semaphore_mem>>)
        %dma_wait3A_24 = tpu.memref_slice %arg3[%add3A_11] : memref<8192xi32, #tpu.memory_space<hbm>> -> memref<64xi32, #tpu.memory_space<hbm>>
        %dma_wait3A_25 = tpu.memref_slice %arg3[%add3A_11] : memref<8192xi32, #tpu.memory_space<hbm>> -> memref<64xi32, #tpu.memory_space<hbm>>
        tpu.wait_dma2 semaphore(%run_scoped3A : memref<!tpu.dma_semaphore, #tpu.memory_space<semaphore_mem>>) src(%dma_wait3A_25 : memref<64xi32, #tpu.memory_space<hbm>>) dst(%arg6 : memref<64xi32, #tpu.memory_space<vmem>>)
        tpu.yield
      }) : () -> ()
      %dma_start3A = arith.constant 0 : i32
      %dma_start3A_12 = arith.constant 0 : i32
      %dma_start3A_13 = tpu.memref_slice %arg2[%dma_start3A, %dma_start3A_12] : memref<8192x256xf32, #tpu.memory_space<hbm>> -> memref<8192x256xf32, #tpu.memory_space<hbm>>
      tpu.enqueue_indirect_dma source(%dma_start3A_13 : memref<8192x256xf32, #tpu.memory_space<hbm>>) target(%arg7 : memref<64x256xf32, #tpu.memory_space<vmem>>) offsets(%arg6 : memref<64xi32, #tpu.memory_space<vmem>>) semaphore(%arg9 : memref<!tpu.dma_semaphore, #tpu.memory_space<semaphore_mem>>)
      "tpu.region"() ({
        %run_scoped3A = tpu.sem_alloc : memref<!tpu.dma_semaphore, #tpu.memory_space<semaphore_mem>>
        %dma_start3A_22 = arith.constant 0 : i32
        %dma_start3A_23 = tpu.memref_slice %arg4[%add3A_11, %dma_start3A_22] : memref<8192x256xf32, #tpu.memory_space<hbm>> -> memref<64x256xf32, #tpu.memory_space<hbm>>
        %dma_start3A_24 = arith.constant 0 : i32
        %dma_start3A_25 = tpu.memref_slice %arg4[%add3A_11, %dma_start3A_24] : memref<8192x256xf32, #tpu.memory_space<hbm>> -> memref<64x256xf32, #tpu.memory_space<hbm>>
        tpu.enqueue_dma source(%dma_start3A_25 : memref<64x256xf32, #tpu.memory_space<hbm>>) target(%arg8 : memref<64x256xf32, #tpu.memory_space<vmem>>) target_semaphore(%run_scoped3A : memref<!tpu.dma_semaphore, #tpu.memory_space<semaphore_mem>>)
        %dma_wait3A_26 = arith.constant 0 : i32
        %dma_wait3A_27 = tpu.memref_slice %arg4[%add3A_11, %dma_wait3A_26] : memref<8192x256xf32, #tpu.memory_space<hbm>> -> memref<64x256xf32, #tpu.memory_space<hbm>>
        %dma_wait3A_28 = arith.constant 0 : i32
        %dma_wait3A_29 = tpu.memref_slice %arg4[%add3A_11, %dma_wait3A_28] : memref<8192x256xf32, #tpu.memory_space<hbm>> -> memref<64x256xf32, #tpu.memory_space<hbm>>
        tpu.wait_dma2 semaphore(%run_scoped3A : memref<!tpu.dma_semaphore, #tpu.memory_space<semaphore_mem>>) src(%dma_wait3A_29 : memref<64x256xf32, #tpu.memory_space<hbm>>) dst(%arg8 : memref<64x256xf32, #tpu.memory_space<vmem>>)
        tpu.yield
      }) : () -> ()
      %dma_wait3A = arith.constant 0 : i32
      %dma_wait3A_14 = arith.constant 0 : i32
      %dma_wait3A_15 = tpu.memref_slice %arg2[%dma_wait3A, %dma_wait3A_14] : memref<8192x256xf32, #tpu.memory_space<hbm>> -> memref<8192x256xf32, #tpu.memory_space<hbm>>
      tpu.wait_indirect_dma semaphore(%arg9 : memref<!tpu.dma_semaphore, #tpu.memory_space<semaphore_mem>>) src(%dma_wait3A_15 : memref<8192x256xf32, #tpu.memory_space<hbm>>) dst(%arg7 : memref<64x256xf32, #tpu.memory_space<vmem>>)
      %scan3A_16 = arith.constant 0 : i32
      %scan3A_17 = arith.constant 0 : i32
      %scan3A_18 = arith.constant 256 : i32
      %scan3A_19 = arith.addi %scan3A_17, %scan3A_18 : i32
      %scan3A_20 = arith.constant 1 : i32
      scf.for %scan3A_22 = %scan3A_17 to %scan3A_19 step %scan3A_20  : i32 {
        %mul3A_23 = arith.constant 4 : i32
        %mul3A_24 = arith.muli %mul3A_23, %scan3A_22 : i32
        %jit3A = arith.constant 16 : i32
        %div3A = arith.divsi %mul3A_24, %jit3A : i32
        %sign3A = arith.constant 0 : i32
        %sign3A_25 = arith.cmpi sgt, %mul3A_24, %sign3A : i32
        %sign3A_26 = arith.extui %sign3A_25 : i1 to i32
        %sign3A_27 = arith.constant 0 : i32
        %sign3A_28 = arith.cmpi slt, %mul3A_24, %sign3A_27 : i32
        %sign3A_29 = arith.extui %sign3A_28 : i1 to i32
        %sign3A_30 = arith.subi %sign3A_26, %sign3A_29 : i32
        %sign3A_31 = arith.constant 0 : i32
        %sign3A_32 = arith.cmpi sgt, %jit3A, %sign3A_31 : i32
        %sign3A_33 = arith.extui %sign3A_32 : i1 to i32
        %sign3A_34 = arith.constant 0 : i32
        %sign3A_35 = arith.cmpi slt, %jit3A, %sign3A_34 : i32
        %sign3A_36 = arith.extui %sign3A_35 : i1 to i32
        %sign3A_37 = arith.subi %sign3A_33, %sign3A_36 : i32
        %ne3A = arith.cmpi ne, %sign3A_30, %sign3A_37 : i32
        %rem3A = arith.remsi %mul3A_24, %jit3A : i32
        %ne3A_38 = arith.constant 0 : i32
        %ne3A_39 = arith.cmpi ne, %rem3A, %ne3A_38 : i32
        %and3A = arith.andi %ne3A, %ne3A_39 : i1
        %sub3A = arith.constant 1 : i32
        %sub3A_40 = arith.subi %div3A, %sub3A : i32
        %select_n3A = arith.select %and3A, %sub3A_40, %div3A : i32
        %mul3A_41 = arith.constant 4 : i32
        %mul3A_42 = arith.muli %mul3A_41, %scan3A_22 : i32
        %jit3A_43 = arith.constant 16 : i32
        %eq3A = arith.constant 0 : i32
        %eq3A_44 = arith.cmpi eq, %jit3A_43, %eq3A : i32
        %jit3A_45 = arith.constant 1 : i32
        %select_n3A_46 = arith.select %eq3A_44, %jit3A_45, %jit3A_43 : i32
        %rem3A_47 = arith.remsi %mul3A_42, %select_n3A_46 : i32
        %ne3A_48 = arith.constant 0 : i32
        %ne3A_49 = arith.cmpi ne, %rem3A_47, %ne3A_48 : i32
        %lt3A = arith.constant 0 : i32
        %lt3A_50 = arith.cmpi slt, %rem3A_47, %lt3A : i32
        %lt3A_51 = arith.constant 0 : i32
        %lt3A_52 = arith.cmpi slt, %select_n3A_46, %lt3A_51 : i32
        %ne3A_53 = arith.xori %lt3A_50, %lt3A_52 : i1
        %and3A_54 = arith.andi %ne3A_53, %ne3A_49 : i1
        %add3A_55 = arith.addi %rem3A_47, %select_n3A_46 : i32
        %select_n3A_56 = arith.select %and3A_54, %add3A_55, %rem3A_47 : i32
        %mul3A_57 = arith.constant 16 : i32
        %mul3A_58 = arith.muli %select_n3A_56, %mul3A_57 : i32
        %add3A_59 = arith.constant 0 : i32
        %add3A_60 = arith.addi %mul3A_58, %add3A_59 : i32
        %get3A = arith.index_cast %select_n3A : i32 to index
        %get3A_61 = arith.index_cast %add3A_60 : i32 to index
        %get3A_62 = tpu.vector_load %arg8[%get3A, %get3A_61] {strides = array<i32>} : memref<64x256xf32, #tpu.memory_space<vmem>>, vector<1x16xf32>,
        %get3A_63 = vector.shape_cast %get3A_62 : vector<1x16xf32> to vector<16xf32>
        %add3A_64 = arith.constant 0 : i32
        %add3A_65 = arith.addi %mul3A_58, %add3A_64 : i32
        %get3A_66 = arith.index_cast %select_n3A : i32 to index
        %get3A_67 = arith.index_cast %add3A_65 : i32 to index
        %get3A_68 = tpu.vector_load %arg7[%get3A_66, %get3A_67] {strides = array<i32>} : memref<64x256xf32, #tpu.memory_space<vmem>>, vector<1x16xf32>,
        %get3A_69 = vector.shape_cast %get3A_68 : vector<1x16xf32> to vector<16xf32>
        %sub3A_70 = arith.subf %get3A_63, %get3A_69 : vector<16xf32>
        %add3A_71 = arith.constant 0 : i32
        %add3A_72 = arith.addi %mul3A_58, %add3A_71 : i32
        %swap3A = arith.index_cast %select_n3A : i32 to index
        %swap3A_73 = arith.index_cast %add3A_72 : i32 to index
        %swap3A_74 = tpu.vector_load %arg8[%swap3A, %swap3A_73] {strides = array<i32>} : memref<64x256xf32, #tpu.memory_space<vmem>>, vector<1x16xf32>,
        %swap3A_75 = vector.shape_cast %swap3A_74 : vector<1x16xf32> to vector<16xf32>
        %swap3A_76 = vector.shape_cast %sub3A_70 : vector<16xf32> to vector<1x16xf32>
        tpu.vector_store %arg8[%swap3A, %swap3A_73], %swap3A_76 {strides = array<i32>} : memref<64x256xf32, #tpu.memory_space<vmem>>, vector<1x16xf32>,
        %add3A_77 = arith.constant 16 : i32
        %add3A_78 = arith.addi %mul3A_58, %add3A_77 : i32
        %get3A_79 = arith.index_cast %select_n3A : i32 to index
        %get3A_80 = arith.index_cast %add3A_78 : i32 to index
        %get3A_81 = tpu.vector_load %arg8[%get3A_79, %get3A_80] {strides = array<i32>} : memref<64x256xf32, #tpu.memory_space<vmem>>, vector<1x16xf32>,
        %get3A_82 = vector.shape_cast %get3A_81 : vector<1x16xf32> to vector<16xf32>
        %add3A_83 = arith.constant 16 : i32
        %add3A_84 = arith.addi %mul3A_58, %add3A_83 : i32
        %get3A_85 = arith.index_cast %select_n3A : i32 to index
        %get3A_86 = arith.index_cast %add3A_84 : i32 to index
        %get3A_87 = tpu.vector_load %arg7[%get3A_85, %get3A_86] {strides = array<i32>} : memref<64x256xf32, #tpu.memory_space<vmem>>, vector<1x16xf32>,
        %get3A_88 = vector.shape_cast %get3A_87 : vector<1x16xf32> to vector<16xf32>
        %sub3A_89 = arith.subf %get3A_82, %get3A_88 : vector<16xf32>
        %add3A_90 = arith.constant 16 : i32
        %add3A_91 = arith.addi %mul3A_58, %add3A_90 : i32
        %swap3A_92 = arith.index_cast %select_n3A : i32 to index
        %swap3A_93 = arith.index_cast %add3A_91 : i32 to index
        %swap3A_94 = tpu.vector_load %arg8[%swap3A_92, %swap3A_93] {strides = array<i32>} : memref<64x256xf32, #tpu.memory_space<vmem>>, vector<1x16xf32>,
        %swap3A_95 = vector.shape_cast %swap3A_94 : vector<1x16xf32> to vector<16xf32>
        %swap3A_96 = vector.shape_cast %sub3A_89 : vector<16xf32> to vector<1x16xf32>
        tpu.vector_store %arg8[%swap3A_92, %swap3A_93], %swap3A_96 {strides = array<i32>} : memref<64x256xf32, #tpu.memory_space<vmem>>, vector<1x16xf32>,
        %add3A_97 = arith.constant 32 : i32
        %add3A_98 = arith.addi %mul3A_58, %add3A_97 : i32
        %get3A_99 = arith.index_cast %select_n3A : i32 to index
        %get3A_100 = arith.index_cast %add3A_98 : i32 to index
        %get3A_101 = tpu.vector_load %arg8[%get3A_99, %get3A_100] {strides = array<i32>} : memref<64x256xf32, #tpu.memory_space<vmem>>, vector<1x16xf32>,
        %get3A_102 = vector.shape_cast %get3A_101 : vector<1x16xf32> to vector<16xf32>
        %add3A_103 = arith.constant 32 : i32
        %add3A_104 = arith.addi %mul3A_58, %add3A_103 : i32
        %get3A_105 = arith.index_cast %select_n3A : i32 to index
        %get3A_106 = arith.index_cast %add3A_104 : i32 to index
        %get3A_107 = tpu.vector_load %arg7[%get3A_105, %get3A_106] {strides = array<i32>} : memref<64x256xf32, #tpu.memory_space<vmem>>, vector<1x16xf32>,
        %get3A_108 = vector.shape_cast %get3A_107 : vector<1x16xf32> to vector<16xf32>
        %sub3A_109 = arith.subf %get3A_102, %get3A_108 : vector<16xf32>
        %add3A_110 = arith.constant 32 : i32
        %add3A_111 = arith.addi %mul3A_58, %add3A_110 : i32
        %swap3A_112 = arith.index_cast %select_n3A : i32 to index
        %swap3A_113 = arith.index_cast %add3A_111 : i32 to index
        %swap3A_114 = tpu.vector_load %arg8[%swap3A_112, %swap3A_113] {strides = array<i32>} : memref<64x256xf32, #tpu.memory_space<vmem>>, vector<1x16xf32>,
        %swap3A_115 = vector.shape_cast %swap3A_114 : vector<1x16xf32> to vector<16xf32>
        %swap3A_116 = vector.shape_cast %sub3A_109 : vector<16xf32> to vector<1x16xf32>
        tpu.vector_store %arg8[%swap3A_112, %swap3A_113], %swap3A_116 {strides = array<i32>} : memref<64x256xf32, #tpu.memory_space<vmem>>, vector<1x16xf32>,
        %add3A_117 = arith.constant 48 : i32
        %add3A_118 = arith.addi %mul3A_58, %add3A_117 : i32
        %get3A_119 = arith.index_cast %select_n3A : i32 to index
        %get3A_120 = arith.index_cast %add3A_118 : i32 to index
        %get3A_121 = tpu.vector_load %arg8[%get3A_119, %get3A_120] {strides = array<i32>} : memref<64x256xf32, #tpu.memory_space<vmem>>, vector<1x16xf32>,
        %get3A_122 = vector.shape_cast %get3A_121 : vector<1x16xf32> to vector<16xf32>
        %add3A_123 = arith.constant 48 : i32
        %add3A_124 = arith.addi %mul3A_58, %add3A_123 : i32
        %get3A_125 = arith.index_cast %select_n3A : i32 to index
        %get3A_126 = arith.index_cast %add3A_124 : i32 to index
        %get3A_127 = tpu.vector_load %arg7[%get3A_125, %get3A_126] {strides = array<i32>} : memref<64x256xf32, #tpu.memory_space<vmem>>, vector<1x16xf32>,
        %get3A_128 = vector.shape_cast %get3A_127 : vector<1x16xf32> to vector<16xf32>
        %sub3A_129 = arith.subf %get3A_122, %get3A_128 : vector<16xf32>
        %add3A_130 = arith.constant 48 : i32
        %add3A_131 = arith.addi %mul3A_58, %add3A_130 : i32
        %swap3A_132 = arith.index_cast %select_n3A : i32 to index
        %swap3A_133 = arith.index_cast %add3A_131 : i32 to index
        %swap3A_134 = tpu.vector_load %arg8[%swap3A_132, %swap3A_133] {strides = array<i32>} : memref<64x256xf32, #tpu.memory_space<vmem>>, vector<1x16xf32>,
        %swap3A_135 = vector.shape_cast %swap3A_134 : vector<1x16xf32> to vector<16xf32>
        %swap3A_136 = vector.shape_cast %sub3A_129 : vector<16xf32> to vector<1x16xf32>
        tpu.vector_store %arg8[%swap3A_132, %swap3A_133], %swap3A_136 {strides = array<i32>} : memref<64x256xf32, #tpu.memory_space<vmem>>, vector<1x16xf32>,
      }
      %scan3A_21 = arith.constant 256 : i32
      "tpu.region"() ({
        %run_scoped3A = tpu.sem_alloc : memref<!tpu.dma_semaphore, #tpu.memory_space<semaphore_mem>>
        %dma_start3A_22 = arith.constant 0 : i32
        %dma_start3A_23 = tpu.memref_slice %arg5[%add3A_11, %dma_start3A_22] : memref<8192x256xf32, #tpu.memory_space<hbm>> -> memref<64x256xf32, #tpu.memory_space<hbm>>
        %dma_start3A_24 = arith.constant 0 : i32
        %dma_start3A_25 = tpu.memref_slice %arg5[%add3A_11, %dma_start3A_24] : memref<8192x256xf32, #tpu.memory_space<hbm>> -> memref<64x256xf32, #tpu.memory_space<hbm>>
        tpu.enqueue_dma source(%arg8 : memref<64x256xf32, #tpu.memory_space<vmem>>) target(%dma_start3A_25 : memref<64x256xf32, #tpu.memory_space<hbm>>) target_semaphore(%run_scoped3A : memref<!tpu.dma_semaphore, #tpu.memory_space<semaphore_mem>>)
        %dma_wait3A_26 = arith.constant 0 : i32
        %dma_wait3A_27 = tpu.memref_slice %arg5[%add3A_11, %dma_wait3A_26] : memref<8192x256xf32, #tpu.memory_space<hbm>> -> memref<64x256xf32, #tpu.memory_space<hbm>>
        %dma_wait3A_28 = arith.constant 0 : i32
        %dma_wait3A_29 = tpu.memref_slice %arg5[%add3A_11, %dma_wait3A_28] : memref<8192x256xf32, #tpu.memory_space<hbm>> -> memref<64x256xf32, #tpu.memory_space<hbm>>
        tpu.wait_dma2 semaphore(%run_scoped3A : memref<!tpu.dma_semaphore, #tpu.memory_space<semaphore_mem>>) src(%arg8 : memref<64x256xf32, #tpu.memory_space<vmem>>) dst(%dma_wait3A_29 : memref<64x256xf32, #tpu.memory_space<hbm>>)
        tpu.yield
      }) : () -> ()
    }
    %scan3A_5 = arith.constant 4 : i32
    return
  }
}

#map = affine_map<(d0, d1) -> (0, 0)>
#map1 = affine_map<(d0, d1) -> (0)>
module attributes {stable_mosaic.version = 14 : i64} {
  func.func @_residual_body(%arg0: i32, %arg1: i32, %arg2: memref<8192x256xf32, #tpu.memory_space<hbm>>, %arg3: memref<8192xi32, #tpu.memory_space<hbm>>, %arg4: memref<8192x256xf32, #tpu.memory_space<hbm>>, %arg5: memref<8192x256xf32, #tpu.memory_space<hbm>>, %arg6: memref<64xi32, #tpu.memory_space<vmem>>, %arg7: memref<64x256xf32, #tpu.memory_space<vmem>>, %arg8: memref<64x256xf32, #tpu.memory_space<vmem>>, %arg9: memref<!tpu.dma_semaphore, #tpu.memory_space<semaphore_mem>>) attributes {dimension_semantics = [#tpu.dimension_semantics<core_parallel>, #tpu.dimension_semantics<subcore_parallel>], iteration_bounds = array<i64: 2, 16>, scalar_prefetch = 0 : i64, scratch_operands = 4 : i64, tpu.core_type = #tpu.core_type<sc_vector_subcore>, window_params = [{transform_indices = #map}, {transform_indices = #map1}, {transform_indices = #map}, {transform_indices = #map}]} {
    %mul3A = arith.constant 2 : i32
    %mul3A_0 = arith.muli %arg1, %mul3A : i32
    %add3A = arith.addi %mul3A_0, %arg0 : i32
    %scan3A = arith.constant 0 : i32
    %scan3A_1 = arith.constant 0 : i32
    %scan3A_2 = arith.constant 4 : i32
    %scan3A_3 = arith.addi %scan3A_1, %scan3A_2 : i32
    %scan3A_4 = arith.constant 1 : i32
    scf.for %scan3A_6 = %scan3A_1 to %scan3A_3 step %scan3A_4  : i32 {
      %mul3A_7 = arith.constant 256 : i32
      %mul3A_8 = arith.muli %add3A, %mul3A_7 : i32
      %mul3A_9 = arith.constant 64 : i32
      %mul3A_10 = arith.muli %scan3A_6, %mul3A_9 : i32
      %add3A_11 = arith.addi %mul3A_8, %mul3A_10 : i32
      "tpu.region"() ({
        %run_scoped3A = tpu.sem_alloc : memref<!tpu.dma_semaphore, #tpu.memory_space<semaphore_mem>>
        %dma_start3A_22 = tpu.memref_slice %arg3[%add3A_11] : memref<8192xi32, #tpu.memory_space<hbm>> -> memref<64xi32, #tpu.memory_space<hbm>>
        %dma_start3A_23 = tpu.memref_slice %arg3[%add3A_11] : memref<8192xi32, #tpu.memory_space<hbm>> -> memref<64xi32, #tpu.memory_space<hbm>>
        tpu.enqueue_dma source(%dma_start3A_23 : memref<64xi32, #tpu.memory_space<hbm>>) target(%arg6 : memref<64xi32, #tpu.memory_space<vmem>>) target_semaphore(%run_scoped3A : memref<!tpu.dma_semaphore, #tpu.memory_space<semaphore_mem>>)
        %dma_wait3A_24 = tpu.memref_slice %arg3[%add3A_11] : memref<8192xi32, #tpu.memory_space<hbm>> -> memref<64xi32, #tpu.memory_space<hbm>>
        %dma_wait3A_25 = tpu.memref_slice %arg3[%add3A_11] : memref<8192xi32, #tpu.memory_space<hbm>> -> memref<64xi32, #tpu.memory_space<hbm>>
        tpu.wait_dma2 semaphore(%run_scoped3A : memref<!tpu.dma_semaphore, #tpu.memory_space<semaphore_mem>>) src(%dma_wait3A_25 : memref<64xi32, #tpu.memory_space<hbm>>) dst(%arg6 : memref<64xi32, #tpu.memory_space<vmem>>)
        tpu.yield
      }) : () -> ()
      %dma_start3A = arith.constant 0 : i32
      %dma_start3A_12 = arith.constant 0 : i32
      %dma_start3A_13 = tpu.memref_slice %arg2[%dma_start3A, %dma_start3A_12] : memref<8192x256xf32, #tpu.memory_space<hbm>> -> memref<8192x256xf32, #tpu.memory_space<hbm>>
      tpu.enqueue_indirect_dma source(%dma_start3A_13 : memref<8192x256xf32, #tpu.memory_space<hbm>>) target(%arg7 : memref<64x256xf32, #tpu.memory_space<vmem>>) offsets(%arg6 : memref<64xi32, #tpu.memory_space<vmem>>) semaphore(%arg9 : memref<!tpu.dma_semaphore, #tpu.memory_space<semaphore_mem>>)
      "tpu.region"() ({
        %run_scoped3A = tpu.sem_alloc : memref<!tpu.dma_semaphore, #tpu.memory_space<semaphore_mem>>
        %dma_start3A_22 = arith.constant 0 : i32
        %dma_start3A_23 = tpu.memref_slice %arg4[%add3A_11, %dma_start3A_22] : memref<8192x256xf32, #tpu.memory_space<hbm>> -> memref<64x256xf32, #tpu.memory_space<hbm>>
        %dma_start3A_24 = arith.constant 0 : i32
        %dma_start3A_25 = tpu.memref_slice %arg4[%add3A_11, %dma_start3A_24] : memref<8192x256xf32, #tpu.memory_space<hbm>> -> memref<64x256xf32, #tpu.memory_space<hbm>>
        tpu.enqueue_dma source(%dma_start3A_25 : memref<64x256xf32, #tpu.memory_space<hbm>>) target(%arg8 : memref<64x256xf32, #tpu.memory_space<vmem>>) target_semaphore(%run_scoped3A : memref<!tpu.dma_semaphore, #tpu.memory_space<semaphore_mem>>)
        %dma_wait3A_26 = arith.constant 0 : i32
        %dma_wait3A_27 = tpu.memref_slice %arg4[%add3A_11, %dma_wait3A_26] : memref<8192x256xf32, #tpu.memory_space<hbm>> -> memref<64x256xf32, #tpu.memory_space<hbm>>
        %dma_wait3A_28 = arith.constant 0 : i32
        %dma_wait3A_29 = tpu.memref_slice %arg4[%add3A_11, %dma_wait3A_28] : memref<8192x256xf32, #tpu.memory_space<hbm>> -> memref<64x256xf32, #tpu.memory_space<hbm>>
        tpu.wait_dma2 semaphore(%run_scoped3A : memref<!tpu.dma_semaphore, #tpu.memory_space<semaphore_mem>>) src(%dma_wait3A_29 : memref<64x256xf32, #tpu.memory_space<hbm>>) dst(%arg8 : memref<64x256xf32, #tpu.memory_space<vmem>>)
        tpu.yield
      }) : () -> ()
      %dma_wait3A = arith.constant 0 : i32
      %dma_wait3A_14 = arith.constant 0 : i32
      %dma_wait3A_15 = tpu.memref_slice %arg2[%dma_wait3A, %dma_wait3A_14] : memref<8192x256xf32, #tpu.memory_space<hbm>> -> memref<8192x256xf32, #tpu.memory_space<hbm>>
      tpu.wait_indirect_dma semaphore(%arg9 : memref<!tpu.dma_semaphore, #tpu.memory_space<semaphore_mem>>) src(%dma_wait3A_15 : memref<8192x256xf32, #tpu.memory_space<hbm>>) dst(%arg7 : memref<64x256xf32, #tpu.memory_space<vmem>>)
      %scan3A_16 = arith.constant 0 : i32
      %scan3A_17 = arith.constant 0 : i32
      %scan3A_18 = arith.constant 256 : i32
      %scan3A_19 = arith.addi %scan3A_17, %scan3A_18 : i32
      %scan3A_20 = arith.constant 1 : i32
      scf.for %scan3A_22 = %scan3A_17 to %scan3A_19 step %scan3A_20  : i32 {
        %mul3A_23 = arith.constant 4 : i32
        %mul3A_24 = arith.muli %mul3A_23, %scan3A_22 : i32
        %jit3A = arith.constant 16 : i32
        %div3A = arith.divsi %mul3A_24, %jit3A : i32
        %sign3A = arith.constant 0 : i32
        %sign3A_25 = arith.cmpi sgt, %mul3A_24, %sign3A : i32
        %sign3A_26 = arith.extui %sign3A_25 : i1 to i32
        %sign3A_27 = arith.constant 0 : i32
        %sign3A_28 = arith.cmpi slt, %mul3A_24, %sign3A_27 : i32
        %sign3A_29 = arith.extui %sign3A_28 : i1 to i32
        %sign3A_30 = arith.subi %sign3A_26, %sign3A_29 : i32
        %sign3A_31 = arith.constant 0 : i32
        %sign3A_32 = arith.cmpi sgt, %jit3A, %sign3A_31 : i32
        %sign3A_33 = arith.extui %sign3A_32 : i1 to i32
        %sign3A_34 = arith.constant 0 : i32
        %sign3A_35 = arith.cmpi slt, %jit3A, %sign3A_34 : i32
        %sign3A_36 = arith.extui %sign3A_35 : i1 to i32
        %sign3A_37 = arith.subi %sign3A_33, %sign3A_36 : i32
        %ne3A = arith.cmpi ne, %sign3A_30, %sign3A_37 : i32
        %rem3A = arith.remsi %mul3A_24, %jit3A : i32
        %ne3A_38 = arith.constant 0 : i32
        %ne3A_39 = arith.cmpi ne, %rem3A, %ne3A_38 : i32
        %and3A = arith.andi %ne3A, %ne3A_39 : i1
        %sub3A = arith.constant 1 : i32
        %sub3A_40 = arith.subi %div3A, %sub3A : i32
        %select_n3A = arith.select %and3A, %sub3A_40, %div3A : i32
        %mul3A_41 = arith.constant 4 : i32
        %mul3A_42 = arith.muli %mul3A_41, %scan3A_22 : i32
        %jit3A_43 = arith.constant 16 : i32
        %eq3A = arith.constant 0 : i32
        %eq3A_44 = arith.cmpi eq, %jit3A_43, %eq3A : i32
        %jit3A_45 = arith.constant 1 : i32
        %select_n3A_46 = arith.select %eq3A_44, %jit3A_45, %jit3A_43 : i32
        %rem3A_47 = arith.remsi %mul3A_42, %select_n3A_46 : i32
        %ne3A_48 = arith.constant 0 : i32
        %ne3A_49 = arith.cmpi ne, %rem3A_47, %ne3A_48 : i32
        %lt3A = arith.constant 0 : i32
        %lt3A_50 = arith.cmpi slt, %rem3A_47, %lt3A : i32
        %lt3A_51 = arith.constant 0 : i32
        %lt3A_52 = arith.cmpi slt, %select_n3A_46, %lt3A_51 : i32
        %ne3A_53 = arith.xori %lt3A_50, %lt3A_52 : i1
        %and3A_54 = arith.andi %ne3A_53, %ne3A_49 : i1
        %add3A_55 = arith.addi %rem3A_47, %select_n3A_46 : i32
        %select_n3A_56 = arith.select %and3A_54, %add3A_55, %rem3A_47 : i32
        %mul3A_57 = arith.constant 16 : i32
        %mul3A_58 = arith.muli %select_n3A_56, %mul3A_57 : i32
        %add3A_59 = arith.constant 0 : i32
        %add3A_60 = arith.addi %mul3A_58, %add3A_59 : i32
        %get3A = arith.index_cast %select_n3A : i32 to index
        %get3A_61 = arith.index_cast %add3A_60 : i32 to index
        %get3A_62 = tpu.vector_load %arg8[%get3A, %get3A_61] {strides = array<i32>} : memref<64x256xf32, #tpu.memory_space<vmem>>, vector<1x16xf32>,
        %get3A_63 = vector.shape_cast %get3A_62 : vector<1x16xf32> to vector<16xf32>
        %add3A_64 = arith.constant 0 : i32
        %add3A_65 = arith.addi %mul3A_58, %add3A_64 : i32
        %get3A_66 = arith.index_cast %select_n3A : i32 to index
        %get3A_67 = arith.index_cast %add3A_65 : i32 to index
        %get3A_68 = tpu.vector_load %arg7[%get3A_66, %get3A_67] {strides = array<i32>} : memref<64x256xf32, #tpu.memory_space<vmem>>, vector<1x16xf32>,
        %get3A_69 = vector.shape_cast %get3A_68 : vector<1x16xf32> to vector<16xf32>
        %sub3A_70 = arith.subf %get3A_63, %get3A_69 : vector<16xf32>
        %add3A_71 = arith.constant 0 : i32
        %add3A_72 = arith.addi %mul3A_58, %add3A_71 : i32
        %swap3A = arith.index_cast %select_n3A : i32 to index
        %swap3A_73 = arith.index_cast %add3A_72 : i32 to index
        %swap3A_74 = tpu.vector_load %arg8[%swap3A, %swap3A_73] {strides = array<i32>} : memref<64x256xf32, #tpu.memory_space<vmem>>, vector<1x16xf32>,
        %swap3A_75 = vector.shape_cast %swap3A_74 : vector<1x16xf32> to vector<16xf32>
        %swap3A_76 = vector.shape_cast %sub3A_70 : vector<16xf32> to vector<1x16xf32>
        tpu.vector_store %arg8[%swap3A, %swap3A_73], %swap3A_76 {strides = array<i32>} : memref<64x256xf32, #tpu.memory_space<vmem>>, vector<1x16xf32>,
        %add3A_77 = arith.constant 16 : i32
        %add3A_78 = arith.addi %mul3A_58, %add3A_77 : i32
        %get3A_79 = arith.index_cast %select_n3A : i32 to index
        %get3A_80 = arith.index_cast %add3A_78 : i32 to index
        %get3A_81 = tpu.vector_load %arg8[%get3A_79, %get3A_80] {strides = array<i32>} : memref<64x256xf32, #tpu.memory_space<vmem>>, vector<1x16xf32>,
        %get3A_82 = vector.shape_cast %get3A_81 : vector<1x16xf32> to vector<16xf32>
        %add3A_83 = arith.constant 16 : i32
        %add3A_84 = arith.addi %mul3A_58, %add3A_83 : i32
        %get3A_85 = arith.index_cast %select_n3A : i32 to index
        %get3A_86 = arith.index_cast %add3A_84 : i32 to index
        %get3A_87 = tpu.vector_load %arg7[%get3A_85, %get3A_86] {strides = array<i32>} : memref<64x256xf32, #tpu.memory_space<vmem>>, vector<1x16xf32>,
        %get3A_88 = vector.shape_cast %get3A_87 : vector<1x16xf32> to vector<16xf32>
        %sub3A_89 = arith.subf %get3A_82, %get3A_88 : vector<16xf32>
        %add3A_90 = arith.constant 16 : i32
        %add3A_91 = arith.addi %mul3A_58, %add3A_90 : i32
        %swap3A_92 = arith.index_cast %select_n3A : i32 to index
        %swap3A_93 = arith.index_cast %add3A_91 : i32 to index
        %swap3A_94 = tpu.vector_load %arg8[%swap3A_92, %swap3A_93] {strides = array<i32>} : memref<64x256xf32, #tpu.memory_space<vmem>>, vector<1x16xf32>,
        %swap3A_95 = vector.shape_cast %swap3A_94 : vector<1x16xf32> to vector<16xf32>
        %swap3A_96 = vector.shape_cast %sub3A_89 : vector<16xf32> to vector<1x16xf32>
        tpu.vector_store %arg8[%swap3A_92, %swap3A_93], %swap3A_96 {strides = array<i32>} : memref<64x256xf32, #tpu.memory_space<vmem>>, vector<1x16xf32>,
        %add3A_97 = arith.constant 32 : i32
        %add3A_98 = arith.addi %mul3A_58, %add3A_97 : i32
        %get3A_99 = arith.index_cast %select_n3A : i32 to index
        %get3A_100 = arith.index_cast %add3A_98 : i32 to index
        %get3A_101 = tpu.vector_load %arg8[%get3A_99, %get3A_100] {strides = array<i32>} : memref<64x256xf32, #tpu.memory_space<vmem>>, vector<1x16xf32>,
        %get3A_102 = vector.shape_cast %get3A_101 : vector<1x16xf32> to vector<16xf32>
        %add3A_103 = arith.constant 32 : i32
        %add3A_104 = arith.addi %mul3A_58, %add3A_103 : i32
        %get3A_105 = arith.index_cast %select_n3A : i32 to index
        %get3A_106 = arith.index_cast %add3A_104 : i32 to index
        %get3A_107 = tpu.vector_load %arg7[%get3A_105, %get3A_106] {strides = array<i32>} : memref<64x256xf32, #tpu.memory_space<vmem>>, vector<1x16xf32>,
        %get3A_108 = vector.shape_cast %get3A_107 : vector<1x16xf32> to vector<16xf32>
        %sub3A_109 = arith.subf %get3A_102, %get3A_108 : vector<16xf32>
        %add3A_110 = arith.constant 32 : i32
        %add3A_111 = arith.addi %mul3A_58, %add3A_110 : i32
        %swap3A_112 = arith.index_cast %select_n3A : i32 to index
        %swap3A_113 = arith.index_cast %add3A_111 : i32 to index
        %swap3A_114 = tpu.vector_load %arg8[%swap3A_112, %swap3A_113] {strides = array<i32>} : memref<64x256xf32, #tpu.memory_space<vmem>>, vector<1x16xf32>,
        %swap3A_115 = vector.shape_cast %swap3A_114 : vector<1x16xf32> to vector<16xf32>
        %swap3A_116 = vector.shape_cast %sub3A_109 : vector<16xf32> to vector<1x16xf32>
        tpu.vector_store %arg8[%swap3A_112, %swap3A_113], %swap3A_116 {strides = array<i32>} : memref<64x256xf32, #tpu.memory_space<vmem>>, vector<1x16xf32>,
        %add3A_117 = arith.constant 48 : i32
        %add3A_118 = arith.addi %mul3A_58, %add3A_117 : i32
        %get3A_119 = arith.index_cast %select_n3A : i32 to index
        %get3A_120 = arith.index_cast %add3A_118 : i32 to index
        %get3A_121 = tpu.vector_load %arg8[%get3A_119, %get3A_120] {strides = array<i32>} : memref<64x256xf32, #tpu.memory_space<vmem>>, vector<1x16xf32>,
        %get3A_122 = vector.shape_cast %get3A_121 : vector<1x16xf32> to vector<16xf32>
        %add3A_123 = arith.constant 48 : i32
        %add3A_124 = arith.addi %mul3A_58, %add3A_123 : i32
        %get3A_125 = arith.index_cast %select_n3A : i32 to index
        %get3A_126 = arith.index_cast %add3A_124 : i32 to index
        %get3A_127 = tpu.vector_load %arg7[%get3A_125, %get3A_126] {strides = array<i32>} : memref<64x256xf32, #tpu.memory_space<vmem>>, vector<1x16xf32>,
        %get3A_128 = vector.shape_cast %get3A_127 : vector<1x16xf32> to vector<16xf32>
        %sub3A_129 = arith.subf %get3A_122, %get3A_128 : vector<16xf32>
        %add3A_130 = arith.constant 48 : i32
        %add3A_131 = arith.addi %mul3A_58, %add3A_130 : i32
        %swap3A_132 = arith.index_cast %select_n3A : i32 to index
        %swap3A_133 = arith.index_cast %add3A_131 : i32 to index
        %swap3A_134 = tpu.vector_load %arg8[%swap3A_132, %swap3A_133] {strides = array<i32>} : memref<64x256xf32, #tpu.memory_space<vmem>>, vector<1x16xf32>,
        %swap3A_135 = vector.shape_cast %swap3A_134 : vector<1x16xf32> to vector<16xf32>
        %swap3A_136 = vector.shape_cast %sub3A_129 : vector<16xf32> to vector<1x16xf32>
        tpu.vector_store %arg8[%swap3A_132, %swap3A_133], %swap3A_136 {strides = array<i32>} : memref<64x256xf32, #tpu.memory_space<vmem>>, vector<1x16xf32>,
      }
      %scan3A_21 = arith.constant 256 : i32
      "tpu.region"() ({
        %run_scoped3A = tpu.sem_alloc : memref<!tpu.dma_semaphore, #tpu.memory_space<semaphore_mem>>
        %dma_start3A_22 = arith.constant 0 : i32
        %dma_start3A_23 = tpu.memref_slice %arg5[%add3A_11, %dma_start3A_22] : memref<8192x256xf32, #tpu.memory_space<hbm>> -> memref<64x256xf32, #tpu.memory_space<hbm>>
        %dma_start3A_24 = arith.constant 0 : i32
        %dma_start3A_25 = tpu.memref_slice %arg5[%add3A_11, %dma_start3A_24] : memref<8192x256xf32, #tpu.memory_space<hbm>> -> memref<64x256xf32, #tpu.memory_space<hbm>>
        tpu.enqueue_dma source(%arg8 : memref<64x256xf32, #tpu.memory_space<vmem>>) target(%dma_start3A_25 : memref<64x256xf32, #tpu.memory_space<hbm>>) target_semaphore(%run_scoped3A : memref<!tpu.dma_semaphore, #tpu.memory_space<semaphore_mem>>)
        %dma_wait3A_26 = arith.constant 0 : i32
        %dma_wait3A_27 = tpu.memref_slice %arg5[%add3A_11, %dma_wait3A_26] : memref<8192x256xf32, #tpu.memory_space<hbm>> -> memref<64x256xf32, #tpu.memory_space<hbm>>
        %dma_wait3A_28 = arith.constant 0 : i32
        %dma_wait3A_29 = tpu.memref_slice %arg5[%add3A_11, %dma_wait3A_28] : memref<8192x256xf32, #tpu.memory_space<hbm>> -> memref<64x256xf32, #tpu.memory_space<hbm>>
        tpu.wait_dma2 semaphore(%run_scoped3A : memref<!tpu.dma_semaphore, #tpu.memory_space<semaphore_mem>>) src(%arg8 : memref<64x256xf32, #tpu.memory_space<vmem>>) dst(%dma_wait3A_29 : memref<64x256xf32, #tpu.memory_space<hbm>>)
        tpu.yield
      }) : () -> ()
    }
    %scan3A_5 = arith.constant 4 : i32
    return
  }
}

module attributes {stable_mosaic.version = 14 : i64} {
  func.func @_bins_body(%arg0: i32, %arg1: memref<128x256xf32, #tpu.memory_space<vmem>>, %arg2: memref<256x8192xbf16, #tpu.memory_space<vmem>>, %arg3: memref<128x1xf32, #tpu.memory_space<vmem>>, %arg4: memref<1x8192xf32, #tpu.memory_space<vmem>>, %arg5: memref<128x1xi32, #tpu.memory_space<vmem>>) attributes {dimension_semantics = [#tpu.dimension_semantics<arbitrary>], iteration_bounds = array<i64: 64>, scalar_prefetch = 0 : i64, scratch_operands = 0 : i64, tpu.core_type = #tpu.core_type<tc>, window_params = [{transform_indices = @transform_0, window_bounds = array<i64: 128, 256>}, {pipeline_mode = #tpu.pipeline_mode<synchronous>, transform_indices = @transform_1, window_bounds = array<i64: 256, 8192>}, {transform_indices = @transform_2, window_bounds = array<i64: 128, 1>}, {pipeline_mode = #tpu.pipeline_mode<synchronous>, transform_indices = @transform_3, window_bounds = array<i64: 1, 8192>}, {transform_indices = @transform_4, window_bounds = array<i64: 128, 1>}]} {
    %get3A = arith.constant 0 : index
    %get3A_0 = arith.constant 0 : index
    %get3A_1 = vector.load %arg1[%get3A, %get3A_0] : memref<128x256xf32, #tpu.memory_space<vmem>>, vector<128x256xf32>
    %convert_element_type3A = arith.truncf %get3A_1 : vector<128x256xf32> to vector<128x256xbf16>
    %get3A_2 = arith.constant 0 : index
    %get3A_3 = arith.constant 0 : index
    %get3A_4 = vector.load %arg3[%get3A_2, %get3A_3] : memref<128x1xf32, #tpu.memory_space<vmem>>, vector<128x1xf32>
    %iota3A = tpu.iota {dimensions = array<i32: 1>} : vector<128x128xi32>
    %convert_element_type3A_5 = arith.sitofp %iota3A : vector<128x128xi32> to vector<128x128xf32>
    %broadcast_in_dim3A = arith.constant 0x7F800000 : f32
    %broadcast_in_dim3A_6 = vector.broadcast %broadcast_in_dim3A : f32 to vector<128x128xf32>
    %broadcast_in_dim3A_7 = arith.constant 0.000000e+00 : f32
    %broadcast_in_dim3A_8 = vector.broadcast %broadcast_in_dim3A_7 : f32 to vector<128x128xf32>
    %get3A_9 = arith.constant 0 : index
    %get3A_10 = arith.constant 0 : index
    %get3A_11 = vector.load %arg2[%get3A_9, %get3A_10] : memref<256x8192xbf16, #tpu.memory_space<vmem>>, vector<256x512xbf16>
    %dot_general3A = arith.constant dense<0.000000e+00> : vector<128x512xf32>
    %dot_general3A_12 = tpu.matmul %convert_element_type3A, %get3A_11, %dot_general3A {dimension_numbers = #tpu.dot_dimension_numbers<[1], [0], [0], [1], [0, 0, 1, 1], [], []>, transpose_lhs_hint = false} : vector<128x256xbf16>, vector<256x512xbf16>, vector<128x512xf32> -> vector<128x512xf32>
    %mul3A = arith.constant 2.000000e+00 : f32
    %mul3A_13 = vector.broadcast %mul3A : f32 to vector<128x512xf32>
    %mul3A_14 = arith.mulf %mul3A_13, %dot_general3A_12 : vector<128x512xf32>
    %sub3A = vector.broadcast %get3A_4 : vector<128x1xf32> to vector<128x512xf32>
    %sub3A_15 = arith.subf %sub3A, %mul3A_14 : vector<128x512xf32>
    %get3A_16 = arith.constant 0 : index
    %get3A_17 = arith.constant 0 : index
    %get3A_18 = vector.load %arg4[%get3A_16, %get3A_17] : memref<1x8192xf32, #tpu.memory_space<vmem>>, vector<1x512xf32>
    %add3A = vector.broadcast %get3A_18 : vector<1x512xf32> to vector<128x512xf32>
    %add3A_19 = arith.addf %sub3A_15, %add3A : vector<128x512xf32>
    %max3A = arith.constant 0.000000e+00 : f32
    %max3A_20 = vector.broadcast %max3A : f32 to vector<128x512xf32>
    %max3A_21 = arith.maximumf %add3A_19, %max3A_20 : vector<128x512xf32>
    %sqrt3A = math.sqrt %max3A_21 : vector<128x512xf32>
    %slice3A = vector.extract_strided_slice %sqrt3A {offsets = [0, 0], sizes = [128, 128], strides = [1, 1]} : vector<128x512xf32> to vector<128x128xf32>
    %slice3A_22 = vector.extract_strided_slice %sqrt3A {offsets = [0, 128], sizes = [128, 128], strides = [1, 1]} : vector<128x512xf32> to vector<128x128xf32>
    %lt3A = arith.cmpf olt, %slice3A_22, %slice3A : vector<128x128xf32>
    %min3A = arith.minimumf %slice3A, %slice3A_22 : vector<128x128xf32>
    %jit3A = arith.constant 1.000000e+00 : f32
    %jit3A_23 = arith.constant 0.000000e+00 : f32
    %broadcast_in_dim3A_24 = vector.broadcast %jit3A : f32 to vector<128x128xf32>
    %broadcast_in_dim3A_25 = vector.broadcast %jit3A_23 : f32 to vector<128x128xf32>
    %select_n3A = arith.select %lt3A, %broadcast_in_dim3A_24, %broadcast_in_dim3A_25 : vector<128x128xi1>, vector<128x128xf32>
    %lt3A_26 = arith.cmpf olt, %min3A, %broadcast_in_dim3A_6 : vector<128x128xf32>
    %select_n3A_27 = arith.select %lt3A_26, %min3A, %broadcast_in_dim3A_6 : vector<128x128xi1>, vector<128x128xf32>
    %select_n3A_28 = arith.select %lt3A_26, %select_n3A, %broadcast_in_dim3A_8 : vector<128x128xi1>, vector<128x128xf32>
    %slice3A_29 = vector.extract_strided_slice %sqrt3A {offsets = [0, 256], sizes = [128, 128], strides = [1, 1]} : vector<128x512xf32> to vector<128x128xf32>
    %slice3A_30 = vector.extract_strided_slice %sqrt3A {offsets = [0, 384], sizes = [128, 128], strides = [1, 1]} : vector<128x512xf32> to vector<128x128xf32>
    %lt3A_31 = arith.cmpf olt, %slice3A_30, %slice3A_29 : vector<128x128xf32>
    %min3A_32 = arith.minimumf %slice3A_29, %slice3A_30 : vector<128x128xf32>
    %jit3A_33 = arith.constant 3.000000e+00 : f32
    %jit3A_34 = arith.constant 2.000000e+00 : f32
    %broadcast_in_dim3A_35 = vector.broadcast %jit3A_33 : f32 to vector<128x128xf32>
    %broadcast_in_dim3A_36 = vector.broadcast %jit3A_34 : f32 to vector<128x128xf32>
    %select_n3A_37 = arith.select %lt3A_31, %broadcast_in_dim3A_35, %broadcast_in_dim3A_36 : vector<128x128xi1>, vector<128x128xf32>
    %lt3A_38 = arith.cmpf olt, %min3A_32, %select_n3A_27 : vector<128x128xf32>
    %select_n3A_39 = arith.select %lt3A_38, %min3A_32, %select_n3A_27 : vector<128x128xi1>, vector<128x128xf32>
    %select_n3A_40 = arith.select %lt3A_38, %select_n3A_37, %select_n3A_28 : vector<128x128xi1>, vector<128x128xf32>
    %get3A_41 = arith.constant 0 : index
    %get3A_42 = arith.constant 512 : index
    %get3A_43 = vector.load %arg2[%get3A_41, %get3A_42] : memref<256x8192xbf16, #tpu.memory_space<vmem>>, vector<256x512xbf16>
    %dot_general3A_44 = arith.constant dense<0.000000e+00> : vector<128x512xf32>
    %dot_general3A_45 = tpu.matmul %convert_element_type3A, %get3A_43, %dot_general3A_44 {dimension_numbers = #tpu.dot_dimension_numbers<[1], [0], [0], [1], [0, 0, 1, 1], [], []>, transpose_lhs_hint = false} : vector<128x256xbf16>, vector<256x512xbf16>, vector<128x512xf32> -> vector<128x512xf32>
    %mul3A_46 = arith.constant 2.000000e+00 : f32
    %mul3A_47 = vector.broadcast %mul3A_46 : f32 to vector<128x512xf32>
    %mul3A_48 = arith.mulf %mul3A_47, %dot_general3A_45 : vector<128x512xf32>
    %sub3A_49 = vector.broadcast %get3A_4 : vector<128x1xf32> to vector<128x512xf32>
    %sub3A_50 = arith.subf %sub3A_49, %mul3A_48 : vector<128x512xf32>
    %get3A_51 = arith.constant 0 : index
    %get3A_52 = arith.constant 512 : index
    %get3A_53 = vector.load %arg4[%get3A_51, %get3A_52] : memref<1x8192xf32, #tpu.memory_space<vmem>>, vector<1x512xf32>
    %add3A_54 = vector.broadcast %get3A_53 : vector<1x512xf32> to vector<128x512xf32>
    %add3A_55 = arith.addf %sub3A_50, %add3A_54 : vector<128x512xf32>
    %max3A_56 = arith.constant 0.000000e+00 : f32
    %max3A_57 = vector.broadcast %max3A_56 : f32 to vector<128x512xf32>
    %max3A_58 = arith.maximumf %add3A_55, %max3A_57 : vector<128x512xf32>
    %sqrt3A_59 = math.sqrt %max3A_58 : vector<128x512xf32>
    %slice3A_60 = vector.extract_strided_slice %sqrt3A_59 {offsets = [0, 0], sizes = [128, 128], strides = [1, 1]} : vector<128x512xf32> to vector<128x128xf32>
    %slice3A_61 = vector.extract_strided_slice %sqrt3A_59 {offsets = [0, 128], sizes = [128, 128], strides = [1, 1]} : vector<128x512xf32> to vector<128x128xf32>
    %lt3A_62 = arith.cmpf olt, %slice3A_61, %slice3A_60 : vector<128x128xf32>
    %min3A_63 = arith.minimumf %slice3A_60, %slice3A_61 : vector<128x128xf32>
    %jit3A_64 = arith.constant 5.000000e+00 : f32
    %jit3A_65 = arith.constant 4.000000e+00 : f32
    %broadcast_in_dim3A_66 = vector.broadcast %jit3A_64 : f32 to vector<128x128xf32>
    %broadcast_in_dim3A_67 = vector.broadcast %jit3A_65 : f32 to vector<128x128xf32>
    %select_n3A_68 = arith.select %lt3A_62, %broadcast_in_dim3A_66, %broadcast_in_dim3A_67 : vector<128x128xi1>, vector<128x128xf32>
    %lt3A_69 = arith.cmpf olt, %min3A_63, %select_n3A_39 : vector<128x128xf32>
    %select_n3A_70 = arith.select %lt3A_69, %min3A_63, %select_n3A_39 : vector<128x128xi1>, vector<128x128xf32>
    %select_n3A_71 = arith.select %lt3A_69, %select_n3A_68, %select_n3A_40 : vector<128x128xi1>, vector<128x128xf32>
    %slice3A_72 = vector.extract_strided_slice %sqrt3A_59 {offsets = [0, 256], sizes = [128, 128], strides = [1, 1]} : vector<128x512xf32> to vector<128x128xf32>
    %slice3A_73 = vector.extract_strided_slice %sqrt3A_59 {offsets = [0, 384], sizes = [128, 128], strides = [1, 1]} : vector<128x512xf32> to vector<128x128xf32>
    %lt3A_74 = arith.cmpf olt, %slice3A_73, %slice3A_72 : vector<128x128xf32>
    %min3A_75 = arith.minimumf %slice3A_72, %slice3A_73 : vector<128x128xf32>
    %jit3A_76 = arith.constant 7.000000e+00 : f32
    %jit3A_77 = arith.constant 6.000000e+00 : f32
    %broadcast_in_dim3A_78 = vector.broadcast %jit3A_76 : f32 to vector<128x128xf32>
    %broadcast_in_dim3A_79 = vector.broadcast %jit3A_77 : f32 to vector<128x128xf32>
    %select_n3A_80 = arith.select %lt3A_74, %broadcast_in_dim3A_78, %broadcast_in_dim3A_79 : vector<128x128xi1>, vector<128x128xf32>
    %lt3A_81 = arith.cmpf olt, %min3A_75, %select_n3A_70 : vector<128x128xf32>
    %select_n3A_82 = arith.select %lt3A_81, %min3A_75, %select_n3A_70 : vector<128x128xi1>, vector<128x128xf32>
    %select_n3A_83 = arith.select %lt3A_81, %select_n3A_80, %select_n3A_71 : vector<128x128xi1>, vector<128x128xf32>
    %get3A_84 = arith.constant 0 : index
    %get3A_85 = arith.constant 1024 : index
    %get3A_86 = vector.load %arg2[%get3A_84, %get3A_85] : memref<256x8192xbf16, #tpu.memory_space<vmem>>, vector<256x512xbf16>
    %dot_general3A_87 = arith.constant dense<0.000000e+00> : vector<128x512xf32>
    %dot_general3A_88 = tpu.matmul %convert_element_type3A, %get3A_86, %dot_general3A_87 {dimension_numbers = #tpu.dot_dimension_numbers<[1], [0], [0], [1], [0, 0, 1, 1], [], []>, transpose_lhs_hint = false} : vector<128x256xbf16>, vector<256x512xbf16>, vector<128x512xf32> -> vector<128x512xf32>
    %mul3A_89 = arith.constant 2.000000e+00 : f32
    %mul3A_90 = vector.broadcast %mul3A_89 : f32 to vector<128x512xf32>
    %mul3A_91 = arith.mulf %mul3A_90, %dot_general3A_88 : vector<128x512xf32>
    %sub3A_92 = vector.broadcast %get3A_4 : vector<128x1xf32> to vector<128x512xf32>
    %sub3A_93 = arith.subf %sub3A_92, %mul3A_91 : vector<128x512xf32>
    %get3A_94 = arith.constant 0 : index
    %get3A_95 = arith.constant 1024 : index
    %get3A_96 = vector.load %arg4[%get3A_94, %get3A_95] : memref<1x8192xf32, #tpu.memory_space<vmem>>, vector<1x512xf32>
    %add3A_97 = vector.broadcast %get3A_96 : vector<1x512xf32> to vector<128x512xf32>
    %add3A_98 = arith.addf %sub3A_93, %add3A_97 : vector<128x512xf32>
    %max3A_99 = arith.constant 0.000000e+00 : f32
    %max3A_100 = vector.broadcast %max3A_99 : f32 to vector<128x512xf32>
    %max3A_101 = arith.maximumf %add3A_98, %max3A_100 : vector<128x512xf32>
    %sqrt3A_102 = math.sqrt %max3A_101 : vector<128x512xf32>
    %slice3A_103 = vector.extract_strided_slice %sqrt3A_102 {offsets = [0, 0], sizes = [128, 128], strides = [1, 1]} : vector<128x512xf32> to vector<128x128xf32>
    %slice3A_104 = vector.extract_strided_slice %sqrt3A_102 {offsets = [0, 128], sizes = [128, 128], strides = [1, 1]} : vector<128x512xf32> to vector<128x128xf32>
    %lt3A_105 = arith.cmpf olt, %slice3A_104, %slice3A_103 : vector<128x128xf32>
    %min3A_106 = arith.minimumf %slice3A_103, %slice3A_104 : vector<128x128xf32>
    %jit3A_107 = arith.constant 9.000000e+00 : f32
    %jit3A_108 = arith.constant 8.000000e+00 : f32
    %broadcast_in_dim3A_109 = vector.broadcast %jit3A_107 : f32 to vector<128x128xf32>
    %broadcast_in_dim3A_110 = vector.broadcast %jit3A_108 : f32 to vector<128x128xf32>
    %select_n3A_111 = arith.select %lt3A_105, %broadcast_in_dim3A_109, %broadcast_in_dim3A_110 : vector<128x128xi1>, vector<128x128xf32>
    %lt3A_112 = arith.cmpf olt, %min3A_106, %select_n3A_82 : vector<128x128xf32>
    %select_n3A_113 = arith.select %lt3A_112, %min3A_106, %select_n3A_82 : vector<128x128xi1>, vector<128x128xf32>
    %select_n3A_114 = arith.select %lt3A_112, %select_n3A_111, %select_n3A_83 : vector<128x128xi1>, vector<128x128xf32>
    %slice3A_115 = vector.extract_strided_slice %sqrt3A_102 {offsets = [0, 256], sizes = [128, 128], strides = [1, 1]} : vector<128x512xf32> to vector<128x128xf32>
    %slice3A_116 = vector.extract_strided_slice %sqrt3A_102 {offsets = [0, 384], sizes = [128, 128], strides = [1, 1]} : vector<128x512xf32> to vector<128x128xf32>
    %lt3A_117 = arith.cmpf olt, %slice3A_116, %slice3A_115 : vector<128x128xf32>
    %min3A_118 = arith.minimumf %slice3A_115, %slice3A_116 : vector<128x128xf32>
    %jit3A_119 = arith.constant 1.100000e+01 : f32
    %jit3A_120 = arith.constant 1.000000e+01 : f32
    %broadcast_in_dim3A_121 = vector.broadcast %jit3A_119 : f32 to vector<128x128xf32>
    %broadcast_in_dim3A_122 = vector.broadcast %jit3A_120 : f32 to vector<128x128xf32>
    %select_n3A_123 = arith.select %lt3A_117, %broadcast_in_dim3A_121, %broadcast_in_dim3A_122 : vector<128x128xi1>, vector<128x128xf32>
    %lt3A_124 = arith.cmpf olt, %min3A_118, %select_n3A_113 : vector<128x128xf32>
    %select_n3A_125 = arith.select %lt3A_124, %min3A_118, %select_n3A_113 : vector<128x128xi1>, vector<128x128xf32>
    %select_n3A_126 = arith.select %lt3A_124, %select_n3A_123, %select_n3A_114 : vector<128x128xi1>, vector<128x128xf32>
    %get3A_127 = arith.constant 0 : index
    %get3A_128 = arith.constant 1536 : index
    %get3A_129 = vector.load %arg2[%get3A_127, %get3A_128] : memref<256x8192xbf16, #tpu.memory_space<vmem>>, vector<256x512xbf16>
    %dot_general3A_130 = arith.constant dense<0.000000e+00> : vector<128x512xf32>
    %dot_general3A_131 = tpu.matmul %convert_element_type3A, %get3A_129, %dot_general3A_130 {dimension_numbers = #tpu.dot_dimension_numbers<[1], [0], [0], [1], [0, 0, 1, 1], [], []>, transpose_lhs_hint = false} : vector<128x256xbf16>, vector<256x512xbf16>, vector<128x512xf32> -> vector<128x512xf32>
    %mul3A_132 = arith.constant 2.000000e+00 : f32
    %mul3A_133 = vector.broadcast %mul3A_132 : f32 to vector<128x512xf32>
    %mul3A_134 = arith.mulf %mul3A_133, %dot_general3A_131 : vector<128x512xf32>
    %sub3A_135 = vector.broadcast %get3A_4 : vector<128x1xf32> to vector<128x512xf32>
    %sub3A_136 = arith.subf %sub3A_135, %mul3A_134 : vector<128x512xf32>
    %get3A_137 = arith.constant 0 : index
    %get3A_138 = arith.constant 1536 : index
    %get3A_139 = vector.load %arg4[%get3A_137, %get3A_138] : memref<1x8192xf32, #tpu.memory_space<vmem>>, vector<1x512xf32>
    %add3A_140 = vector.broadcast %get3A_139 : vector<1x512xf32> to vector<128x512xf32>
    %add3A_141 = arith.addf %sub3A_136, %add3A_140 : vector<128x512xf32>
    %max3A_142 = arith.constant 0.000000e+00 : f32
    %max3A_143 = vector.broadcast %max3A_142 : f32 to vector<128x512xf32>
    %max3A_144 = arith.maximumf %add3A_141, %max3A_143 : vector<128x512xf32>
    %sqrt3A_145 = math.sqrt %max3A_144 : vector<128x512xf32>
    %slice3A_146 = vector.extract_strided_slice %sqrt3A_145 {offsets = [0, 0], sizes = [128, 128], strides = [1, 1]} : vector<128x512xf32> to vector<128x128xf32>
    %slice3A_147 = vector.extract_strided_slice %sqrt3A_145 {offsets = [0, 128], sizes = [128, 128], strides = [1, 1]} : vector<128x512xf32> to vector<128x128xf32>
    %lt3A_148 = arith.cmpf olt, %slice3A_147, %slice3A_146 : vector<128x128xf32>
    %min3A_149 = arith.minimumf %slice3A_146, %slice3A_147 : vector<128x128xf32>
    %jit3A_150 = arith.constant 1.300000e+01 : f32
    %jit3A_151 = arith.constant 1.200000e+01 : f32
    %broadcast_in_dim3A_152 = vector.broadcast %jit3A_150 : f32 to vector<128x128xf32>
    %broadcast_in_dim3A_153 = vector.broadcast %jit3A_151 : f32 to vector<128x128xf32>
    %select_n3A_154 = arith.select %lt3A_148, %broadcast_in_dim3A_152, %broadcast_in_dim3A_153 : vector<128x128xi1>, vector<128x128xf32>
    %lt3A_155 = arith.cmpf olt, %min3A_149, %select_n3A_125 : vector<128x128xf32>
    %select_n3A_156 = arith.select %lt3A_155, %min3A_149, %select_n3A_125 : vector<128x128xi1>, vector<128x128xf32>
    %select_n3A_157 = arith.select %lt3A_155, %select_n3A_154, %select_n3A_126 : vector<128x128xi1>, vector<128x128xf32>
    %slice3A_158 = vector.extract_strided_slice %sqrt3A_145 {offsets = [0, 256], sizes = [128, 128], strides = [1, 1]} : vector<128x512xf32> to vector<128x128xf32>
    %slice3A_159 = vector.extract_strided_slice %sqrt3A_145 {offsets = [0, 384], sizes = [128, 128], strides = [1, 1]} : vector<128x512xf32> to vector<128x128xf32>
    %lt3A_160 = arith.cmpf olt, %slice3A_159, %slice3A_158 : vector<128x128xf32>
    %min3A_161 = arith.minimumf %slice3A_158, %slice3A_159 : vector<128x128xf32>
    %jit3A_162 = arith.constant 1.500000e+01 : f32
    %jit3A_163 = arith.constant 1.400000e+01 : f32
    %broadcast_in_dim3A_164 = vector.broadcast %jit3A_162 : f32 to vector<128x128xf32>
    %broadcast_in_dim3A_165 = vector.broadcast %jit3A_163 : f32 to vector<128x128xf32>
    %select_n3A_166 = arith.select %lt3A_160, %broadcast_in_dim3A_164, %broadcast_in_dim3A_165 : vector<128x128xi1>, vector<128x128xf32>
    %lt3A_167 = arith.cmpf olt, %min3A_161, %select_n3A_156 : vector<128x128xf32>
    %select_n3A_168 = arith.select %lt3A_167, %min3A_161, %select_n3A_156 : vector<128x128xi1>, vector<128x128xf32>
    %select_n3A_169 = arith.select %lt3A_167, %select_n3A_166, %select_n3A_157 : vector<128x128xi1>, vector<128x128xf32>
    %get3A_170 = arith.constant 0 : index
    %get3A_171 = arith.constant 2048 : index
    %get3A_172 = vector.load %arg2[%get3A_170, %get3A_171] : memref<256x8192xbf16, #tpu.memory_space<vmem>>, vector<256x512xbf16>
    %dot_general3A_173 = arith.constant dense<0.000000e+00> : vector<128x512xf32>
    %dot_general3A_174 = tpu.matmul %convert_element_type3A, %get3A_172, %dot_general3A_173 {dimension_numbers = #tpu.dot_dimension_numbers<[1], [0], [0], [1], [0, 0, 1, 1], [], []>, transpose_lhs_hint = false} : vector<128x256xbf16>, vector<256x512xbf16>, vector<128x512xf32> -> vector<128x512xf32>
    %mul3A_175 = arith.constant 2.000000e+00 : f32
    %mul3A_176 = vector.broadcast %mul3A_175 : f32 to vector<128x512xf32>
    %mul3A_177 = arith.mulf %mul3A_176, %dot_general3A_174 : vector<128x512xf32>
    %sub3A_178 = vector.broadcast %get3A_4 : vector<128x1xf32> to vector<128x512xf32>
    %sub3A_179 = arith.subf %sub3A_178, %mul3A_177 : vector<128x512xf32>
    %get3A_180 = arith.constant 0 : index
    %get3A_181 = arith.constant 2048 : index
    %get3A_182 = vector.load %arg4[%get3A_180, %get3A_181] : memref<1x8192xf32, #tpu.memory_space<vmem>>, vector<1x512xf32>
    %add3A_183 = vector.broadcast %get3A_182 : vector<1x512xf32> to vector<128x512xf32>
    %add3A_184 = arith.addf %sub3A_179, %add3A_183 : vector<128x512xf32>
    %max3A_185 = arith.constant 0.000000e+00 : f32
    %max3A_186 = vector.broadcast %max3A_185 : f32 to vector<128x512xf32>
    %max3A_187 = arith.maximumf %add3A_184, %max3A_186 : vector<128x512xf32>
    %sqrt3A_188 = math.sqrt %max3A_187 : vector<128x512xf32>
    %slice3A_189 = vector.extract_strided_slice %sqrt3A_188 {offsets = [0, 0], sizes = [128, 128], strides = [1, 1]} : vector<128x512xf32> to vector<128x128xf32>
    %slice3A_190 = vector.extract_strided_slice %sqrt3A_188 {offsets = [0, 128], sizes = [128, 128], strides = [1, 1]} : vector<128x512xf32> to vector<128x128xf32>
    %lt3A_191 = arith.cmpf olt, %slice3A_190, %slice3A_189 : vector<128x128xf32>
    %min3A_192 = arith.minimumf %slice3A_189, %slice3A_190 : vector<128x128xf32>
    %jit3A_193 = arith.constant 1.700000e+01 : f32
    %jit3A_194 = arith.constant 1.600000e+01 : f32
    %broadcast_in_dim3A_195 = vector.broadcast %jit3A_193 : f32 to vector<128x128xf32>
    %broadcast_in_dim3A_196 = vector.broadcast %jit3A_194 : f32 to vector<128x128xf32>
    %select_n3A_197 = arith.select %lt3A_191, %broadcast_in_dim3A_195, %broadcast_in_dim3A_196 : vector<128x128xi1>, vector<128x128xf32>
    %lt3A_198 = arith.cmpf olt, %min3A_192, %select_n3A_168 : vector<128x128xf32>
    %select_n3A_199 = arith.select %lt3A_198, %min3A_192, %select_n3A_168 : vector<128x128xi1>, vector<128x128xf32>
    %select_n3A_200 = arith.select %lt3A_198, %select_n3A_197, %select_n3A_169 : vector<128x128xi1>, vector<128x128xf32>
    %slice3A_201 = vector.extract_strided_slice %sqrt3A_188 {offsets = [0, 256], sizes = [128, 128], strides = [1, 1]} : vector<128x512xf32> to vector<128x128xf32>
    %slice3A_202 = vector.extract_strided_slice %sqrt3A_188 {offsets = [0, 384], sizes = [128, 128], strides = [1, 1]} : vector<128x512xf32> to vector<128x128xf32>
    %lt3A_203 = arith.cmpf olt, %slice3A_202, %slice3A_201 : vector<128x128xf32>
    %min3A_204 = arith.minimumf %slice3A_201, %slice3A_202 : vector<128x128xf32>
    %jit3A_205 = arith.constant 1.900000e+01 : f32
    %jit3A_206 = arith.constant 1.800000e+01 : f32
    %broadcast_in_dim3A_207 = vector.broadcast %jit3A_205 : f32 to vector<128x128xf32>
    %broadcast_in_dim3A_208 = vector.broadcast %jit3A_206 : f32 to vector<128x128xf32>
    %select_n3A_209 = arith.select %lt3A_203, %broadcast_in_dim3A_207, %broadcast_in_dim3A_208 : vector<128x128xi1>, vector<128x128xf32>
    %lt3A_210 = arith.cmpf olt, %min3A_204, %select_n3A_199 : vector<128x128xf32>
    %select_n3A_211 = arith.select %lt3A_210, %min3A_204, %select_n3A_199 : vector<128x128xi1>, vector<128x128xf32>
    %select_n3A_212 = arith.select %lt3A_210, %select_n3A_209, %select_n3A_200 : vector<128x128xi1>, vector<128x128xf32>
    %get3A_213 = arith.constant 0 : index
    %get3A_214 = arith.constant 2560 : index
    %get3A_215 = vector.load %arg2[%get3A_213, %get3A_214] : memref<256x8192xbf16, #tpu.memory_space<vmem>>, vector<256x512xbf16>
    %dot_general3A_216 = arith.constant dense<0.000000e+00> : vector<128x512xf32>
    %dot_general3A_217 = tpu.matmul %convert_element_type3A, %get3A_215, %dot_general3A_216 {dimension_numbers = #tpu.dot_dimension_numbers<[1], [0], [0], [1], [0, 0, 1, 1], [], []>, transpose_lhs_hint = false} : vector<128x256xbf16>, vector<256x512xbf16>, vector<128x512xf32> -> vector<128x512xf32>
    %mul3A_218 = arith.constant 2.000000e+00 : f32
    %mul3A_219 = vector.broadcast %mul3A_218 : f32 to vector<128x512xf32>
    %mul3A_220 = arith.mulf %mul3A_219, %dot_general3A_217 : vector<128x512xf32>
    %sub3A_221 = vector.broadcast %get3A_4 : vector<128x1xf32> to vector<128x512xf32>
    %sub3A_222 = arith.subf %sub3A_221, %mul3A_220 : vector<128x512xf32>
    %get3A_223 = arith.constant 0 : index
    %get3A_224 = arith.constant 2560 : index
    %get3A_225 = vector.load %arg4[%get3A_223, %get3A_224] : memref<1x8192xf32, #tpu.memory_space<vmem>>, vector<1x512xf32>
    %add3A_226 = vector.broadcast %get3A_225 : vector<1x512xf32> to vector<128x512xf32>
    %add3A_227 = arith.addf %sub3A_222, %add3A_226 : vector<128x512xf32>
    %max3A_228 = arith.constant 0.000000e+00 : f32
    %max3A_229 = vector.broadcast %max3A_228 : f32 to vector<128x512xf32>
    %max3A_230 = arith.maximumf %add3A_227, %max3A_229 : vector<128x512xf32>
    %sqrt3A_231 = math.sqrt %max3A_230 : vector<128x512xf32>
    %slice3A_232 = vector.extract_strided_slice %sqrt3A_231 {offsets = [0, 0], sizes = [128, 128], strides = [1, 1]} : vector<128x512xf32> to vector<128x128xf32>
    %lt3A_233 = arith.cmpf olt, %slice3A_232, %select_n3A_211 : vector<128x128xf32>
    %select_n3A_234 = arith.select %lt3A_233, %slice3A_232, %select_n3A_211 : vector<128x128xi1>, vector<128x128xf32>
    %jit3A_235 = arith.constant 2.000000e+01 : f32
    %broadcast_in_dim3A_236 = vector.broadcast %jit3A_235 : f32 to vector<128x128xf32>
    %select_n3A_237 = arith.select %lt3A_233, %broadcast_in_dim3A_236, %select_n3A_212 : vector<128x128xi1>, vector<128x128xf32>
    %slice3A_238 = vector.extract_strided_slice %sqrt3A_231 {offsets = [0, 128], sizes = [128, 128], strides = [1, 1]} : vector<128x512xf32> to vector<128x128xf32>
    %lt3A_239 = arith.constant 4.800000e+01 : f32
    %lt3A_240 = vector.broadcast %lt3A_239 : f32 to vector<128x128xf32>
    %lt3A_241 = arith.cmpf olt, %convert_element_type3A_5, %lt3A_240 : vector<128x128xf32>
    %select_n3A_242 = arith.select %lt3A_241, %slice3A_238, %broadcast_in_dim3A_6 : vector<128x128xi1>, vector<128x128xf32>
    %lt3A_243 = arith.cmpf olt, %select_n3A_242, %select_n3A_234 : vector<128x128xf32>
    %select_n3A_244 = arith.select %lt3A_243, %select_n3A_242, %select_n3A_234 : vector<128x128xi1>, vector<128x128xf32>
    %jit3A_245 = arith.constant 2.100000e+01 : f32
    %broadcast_in_dim3A_246 = vector.broadcast %jit3A_245 : f32 to vector<128x128xf32>
    %select_n3A_247 = arith.select %lt3A_243, %broadcast_in_dim3A_246, %select_n3A_237 : vector<128x128xi1>, vector<128x128xf32>
    %reduce_min3A = arith.constant dense<0x7F800000> : vector<128xf32>
    %reduce_min3A_248 = vector.multi_reduction <minimumf>, %select_n3A_244, %reduce_min3A [1] : vector<128x128xf32> to vector<128xf32>
    %broadcast_in_dim3A_249 = vector.shape_cast %reduce_min3A_248 : vector<128xf32> to vector<128x1xf32>
    %mul3A_250 = arith.constant 1.280000e+02 : f32
    %mul3A_251 = vector.broadcast %mul3A_250 : f32 to vector<128x128xf32>
    %mul3A_252 = arith.mulf %select_n3A_247, %mul3A_251 : vector<128x128xf32>
    %add3A_253 = arith.addf %mul3A_252, %convert_element_type3A_5 : vector<128x128xf32>
    %eq3A = vector.broadcast %broadcast_in_dim3A_249 : vector<128x1xf32> to vector<128x128xf32>
    %eq3A_254 = arith.cmpf oeq, %select_n3A_244, %eq3A : vector<128x128xf32>
    %jit3A_255 = arith.constant 8.192000e+03 : f32
    %broadcast_in_dim3A_256 = vector.broadcast %jit3A_255 : f32 to vector<128x128xf32>
    %select_n3A_257 = arith.select %eq3A_254, %add3A_253, %broadcast_in_dim3A_256 : vector<128x128xi1>, vector<128x128xf32>
    %reduce_min3A_258 = arith.constant dense<0x7F800000> : vector<128xf32>
    %reduce_min3A_259 = vector.multi_reduction <minimumf>, %select_n3A_257, %reduce_min3A_258 [1] : vector<128x128xf32> to vector<128xf32>
    %broadcast_in_dim3A_260 = vector.shape_cast %reduce_min3A_259 : vector<128xf32> to vector<128x1xf32>
    %broadcast_in_dim3A_261 = arith.constant 0.000000e+00 : f32
    %broadcast_in_dim3A_262 = vector.broadcast %broadcast_in_dim3A_261 : f32 to vector<128x128xf32>
    %lt3A_263 = arith.constant 4.800000e+01 : f32
    %lt3A_264 = vector.broadcast %lt3A_263 : f32 to vector<128x128xf32>
    %lt3A_265 = arith.cmpf olt, %convert_element_type3A_5, %lt3A_264 : vector<128x128xf32>
    %select_n3A_266 = arith.select %lt3A_265, %broadcast_in_dim3A_6, %slice3A_238 : vector<128x128xi1>, vector<128x128xf32>
    %lt3A_267 = arith.cmpf olt, %select_n3A_266, %broadcast_in_dim3A_6 : vector<128x128xf32>
    %select_n3A_268 = arith.select %lt3A_267, %select_n3A_266, %broadcast_in_dim3A_6 : vector<128x128xi1>, vector<128x128xf32>
    %jit3A_269 = arith.constant 2.100000e+01 : f32
    %broadcast_in_dim3A_270 = vector.broadcast %jit3A_269 : f32 to vector<128x128xf32>
    %select_n3A_271 = arith.select %lt3A_267, %broadcast_in_dim3A_270, %broadcast_in_dim3A_262 : vector<128x128xi1>, vector<128x128xf32>
    %slice3A_272 = vector.extract_strided_slice %sqrt3A_231 {offsets = [0, 256], sizes = [128, 128], strides = [1, 1]} : vector<128x512xf32> to vector<128x128xf32>
    %lt3A_273 = arith.cmpf olt, %slice3A_272, %select_n3A_268 : vector<128x128xf32>
    %select_n3A_274 = arith.select %lt3A_273, %slice3A_272, %select_n3A_268 : vector<128x128xi1>, vector<128x128xf32>
    %jit3A_275 = arith.constant 2.200000e+01 : f32
    %broadcast_in_dim3A_276 = vector.broadcast %jit3A_275 : f32 to vector<128x128xf32>
    %select_n3A_277 = arith.select %lt3A_273, %broadcast_in_dim3A_276, %select_n3A_271 : vector<128x128xi1>, vector<128x128xf32>
    %slice3A_278 = vector.extract_strided_slice %sqrt3A_231 {offsets = [0, 384], sizes = [128, 128], strides = [1, 1]} : vector<128x512xf32> to vector<128x128xf32>
    %lt3A_279 = arith.cmpf olt, %slice3A_278, %select_n3A_274 : vector<128x128xf32>
    %select_n3A_280 = arith.select %lt3A_279, %slice3A_278, %select_n3A_274 : vector<128x128xi1>, vector<128x128xf32>
    %jit3A_281 = arith.constant 2.300000e+01 : f32
    %broadcast_in_dim3A_282 = vector.broadcast %jit3A_281 : f32 to vector<128x128xf32>
    %select_n3A_283 = arith.select %lt3A_279, %broadcast_in_dim3A_282, %select_n3A_277 : vector<128x128xi1>, vector<128x128xf32>
    %get3A_284 = arith.constant 0 : index
    %get3A_285 = arith.constant 3072 : index
    %get3A_286 = vector.load %arg2[%get3A_284, %get3A_285] : memref<256x8192xbf16, #tpu.memory_space<vmem>>, vector<256x512xbf16>
    %dot_general3A_287 = arith.constant dense<0.000000e+00> : vector<128x512xf32>
    %dot_general3A_288 = tpu.matmul %convert_element_type3A, %get3A_286, %dot_general3A_287 {dimension_numbers = #tpu.dot_dimension_numbers<[1], [0], [0], [1], [0, 0, 1, 1], [], []>, transpose_lhs_hint = false} : vector<128x256xbf16>, vector<256x512xbf16>, vector<128x512xf32> -> vector<128x512xf32>
    %mul3A_289 = arith.constant 2.000000e+00 : f32
    %mul3A_290 = vector.broadcast %mul3A_289 : f32 to vector<128x512xf32>
    %mul3A_291 = arith.mulf %mul3A_290, %dot_general3A_288 : vector<128x512xf32>
    %sub3A_292 = vector.broadcast %get3A_4 : vector<128x1xf32> to vector<128x512xf32>
    %sub3A_293 = arith.subf %sub3A_292, %mul3A_291 : vector<128x512xf32>
    %get3A_294 = arith.constant 0 : index
    %get3A_295 = arith.constant 3072 : index
    %get3A_296 = vector.load %arg4[%get3A_294, %get3A_295] : memref<1x8192xf32, #tpu.memory_space<vmem>>, vector<1x512xf32>
    %add3A_297 = vector.broadcast %get3A_296 : vector<1x512xf32> to vector<128x512xf32>
    %add3A_298 = arith.addf %sub3A_293, %add3A_297 : vector<128x512xf32>
    %max3A_299 = arith.constant 0.000000e+00 : f32
    %max3A_300 = vector.broadcast %max3A_299 : f32 to vector<128x512xf32>
    %max3A_301 = arith.maximumf %add3A_298, %max3A_300 : vector<128x512xf32>
    %sqrt3A_302 = math.sqrt %max3A_301 : vector<128x512xf32>
    %slice3A_303 = vector.extract_strided_slice %sqrt3A_302 {offsets = [0, 0], sizes = [128, 128], strides = [1, 1]} : vector<128x512xf32> to vector<128x128xf32>
    %slice3A_304 = vector.extract_strided_slice %sqrt3A_302 {offsets = [0, 128], sizes = [128, 128], strides = [1, 1]} : vector<128x512xf32> to vector<128x128xf32>
    %lt3A_305 = arith.cmpf olt, %slice3A_304, %slice3A_303 : vector<128x128xf32>
    %min3A_306 = arith.minimumf %slice3A_303, %slice3A_304 : vector<128x128xf32>
    %jit3A_307 = arith.constant 2.500000e+01 : f32
    %jit3A_308 = arith.constant 2.400000e+01 : f32
    %broadcast_in_dim3A_309 = vector.broadcast %jit3A_307 : f32 to vector<128x128xf32>
    %broadcast_in_dim3A_310 = vector.broadcast %jit3A_308 : f32 to vector<128x128xf32>
    %select_n3A_311 = arith.select %lt3A_305, %broadcast_in_dim3A_309, %broadcast_in_dim3A_310 : vector<128x128xi1>, vector<128x128xf32>
    %lt3A_312 = arith.cmpf olt, %min3A_306, %select_n3A_280 : vector<128x128xf32>
    %select_n3A_313 = arith.select %lt3A_312, %min3A_306, %select_n3A_280 : vector<128x128xi1>, vector<128x128xf32>
    %select_n3A_314 = arith.select %lt3A_312, %select_n3A_311, %select_n3A_283 : vector<128x128xi1>, vector<128x128xf32>
    %slice3A_315 = vector.extract_strided_slice %sqrt3A_302 {offsets = [0, 256], sizes = [128, 128], strides = [1, 1]} : vector<128x512xf32> to vector<128x128xf32>
    %slice3A_316 = vector.extract_strided_slice %sqrt3A_302 {offsets = [0, 384], sizes = [128, 128], strides = [1, 1]} : vector<128x512xf32> to vector<128x128xf32>
    %lt3A_317 = arith.cmpf olt, %slice3A_316, %slice3A_315 : vector<128x128xf32>
    %min3A_318 = arith.minimumf %slice3A_315, %slice3A_316 : vector<128x128xf32>
    %jit3A_319 = arith.constant 2.700000e+01 : f32
    %jit3A_320 = arith.constant 2.600000e+01 : f32
    %broadcast_in_dim3A_321 = vector.broadcast %jit3A_319 : f32 to vector<128x128xf32>
    %broadcast_in_dim3A_322 = vector.broadcast %jit3A_320 : f32 to vector<128x128xf32>
    %select_n3A_323 = arith.select %lt3A_317, %broadcast_in_dim3A_321, %broadcast_in_dim3A_322 : vector<128x128xi1>, vector<128x128xf32>
    %lt3A_324 = arith.cmpf olt, %min3A_318, %select_n3A_313 : vector<128x128xf32>
    %select_n3A_325 = arith.select %lt3A_324, %min3A_318, %select_n3A_313 : vector<128x128xi1>, vector<128x128xf32>
    %select_n3A_326 = arith.select %lt3A_324, %select_n3A_323, %select_n3A_314 : vector<128x128xi1>, vector<128x128xf32>
    %get3A_327 = arith.constant 0 : index
    %get3A_328 = arith.constant 3584 : index
    %get3A_329 = vector.load %arg2[%get3A_327, %get3A_328] : memref<256x8192xbf16, #tpu.memory_space<vmem>>, vector<256x512xbf16>
    %dot_general3A_330 = arith.constant dense<0.000000e+00> : vector<128x512xf32>
    %dot_general3A_331 = tpu.matmul %convert_element_type3A, %get3A_329, %dot_general3A_330 {dimension_numbers = #tpu.dot_dimension_numbers<[1], [0], [0], [1], [0, 0, 1, 1], [], []>, transpose_lhs_hint = false} : vector<128x256xbf16>, vector<256x512xbf16>, vector<128x512xf32> -> vector<128x512xf32>
    %mul3A_332 = arith.constant 2.000000e+00 : f32
    %mul3A_333 = vector.broadcast %mul3A_332 : f32 to vector<128x512xf32>
    %mul3A_334 = arith.mulf %mul3A_333, %dot_general3A_331 : vector<128x512xf32>
    %sub3A_335 = vector.broadcast %get3A_4 : vector<128x1xf32> to vector<128x512xf32>
    %sub3A_336 = arith.subf %sub3A_335, %mul3A_334 : vector<128x512xf32>
    %get3A_337 = arith.constant 0 : index
    %get3A_338 = arith.constant 3584 : index
    %get3A_339 = vector.load %arg4[%get3A_337, %get3A_338] : memref<1x8192xf32, #tpu.memory_space<vmem>>, vector<1x512xf32>
    %add3A_340 = vector.broadcast %get3A_339 : vector<1x512xf32> to vector<128x512xf32>
    %add3A_341 = arith.addf %sub3A_336, %add3A_340 : vector<128x512xf32>
    %max3A_342 = arith.constant 0.000000e+00 : f32
    %max3A_343 = vector.broadcast %max3A_342 : f32 to vector<128x512xf32>
    %max3A_344 = arith.maximumf %add3A_341, %max3A_343 : vector<128x512xf32>
    %sqrt3A_345 = math.sqrt %max3A_344 : vector<128x512xf32>
    %slice3A_346 = vector.extract_strided_slice %sqrt3A_345 {offsets = [0, 0], sizes = [128, 128], strides = [1, 1]} : vector<128x512xf32> to vector<128x128xf32>
    %slice3A_347 = vector.extract_strided_slice %sqrt3A_345 {offsets = [0, 128], sizes = [128, 128], strides = [1, 1]} : vector<128x512xf32> to vector<128x128xf32>
    %lt3A_348 = arith.cmpf olt, %slice3A_347, %slice3A_346 : vector<128x128xf32>
    %min3A_349 = arith.minimumf %slice3A_346, %slice3A_347 : vector<128x128xf32>
    %jit3A_350 = arith.constant 2.900000e+01 : f32
    %jit3A_351 = arith.constant 2.800000e+01 : f32
    %broadcast_in_dim3A_352 = vector.broadcast %jit3A_350 : f32 to vector<128x128xf32>
    %broadcast_in_dim3A_353 = vector.broadcast %jit3A_351 : f32 to vector<128x128xf32>
    %select_n3A_354 = arith.select %lt3A_348, %broadcast_in_dim3A_352, %broadcast_in_dim3A_353 : vector<128x128xi1>, vector<128x128xf32>
    %lt3A_355 = arith.cmpf olt, %min3A_349, %select_n3A_325 : vector<128x128xf32>
    %select_n3A_356 = arith.select %lt3A_355, %min3A_349, %select_n3A_325 : vector<128x128xi1>, vector<128x128xf32>
    %select_n3A_357 = arith.select %lt3A_355, %select_n3A_354, %select_n3A_326 : vector<128x128xi1>, vector<128x128xf32>
    %slice3A_358 = vector.extract_strided_slice %sqrt3A_345 {offsets = [0, 256], sizes = [128, 128], strides = [1, 1]} : vector<128x512xf32> to vector<128x128xf32>
    %slice3A_359 = vector.extract_strided_slice %sqrt3A_345 {offsets = [0, 384], sizes = [128, 128], strides = [1, 1]} : vector<128x512xf32> to vector<128x128xf32>
    %lt3A_360 = arith.cmpf olt, %slice3A_359, %slice3A_358 : vector<128x128xf32>
    %min3A_361 = arith.minimumf %slice3A_358, %slice3A_359 : vector<128x128xf32>
    %jit3A_362 = arith.constant 3.100000e+01 : f32
    %jit3A_363 = arith.constant 3.000000e+01 : f32
    %broadcast_in_dim3A_364 = vector.broadcast %jit3A_362 : f32 to vector<128x128xf32>
    %broadcast_in_dim3A_365 = vector.broadcast %jit3A_363 : f32 to vector<128x128xf32>
    %select_n3A_366 = arith.select %lt3A_360, %broadcast_in_dim3A_364, %broadcast_in_dim3A_365 : vector<128x128xi1>, vector<128x128xf32>
    %lt3A_367 = arith.cmpf olt, %min3A_361, %select_n3A_356 : vector<128x128xf32>
    %select_n3A_368 = arith.select %lt3A_367, %min3A_361, %select_n3A_356 : vector<128x128xi1>, vector<128x128xf32>
    %select_n3A_369 = arith.select %lt3A_367, %select_n3A_366, %select_n3A_357 : vector<128x128xi1>, vector<128x128xf32>
    %get3A_370 = arith.constant 0 : index
    %get3A_371 = arith.constant 4096 : index
    %get3A_372 = vector.load %arg2[%get3A_370, %get3A_371] : memref<256x8192xbf16, #tpu.memory_space<vmem>>, vector<256x512xbf16>
    %dot_general3A_373 = arith.constant dense<0.000000e+00> : vector<128x512xf32>
    %dot_general3A_374 = tpu.matmul %convert_element_type3A, %get3A_372, %dot_general3A_373 {dimension_numbers = #tpu.dot_dimension_numbers<[1], [0], [0], [1], [0, 0, 1, 1], [], []>, transpose_lhs_hint = false} : vector<128x256xbf16>, vector<256x512xbf16>, vector<128x512xf32> -> vector<128x512xf32>
    %mul3A_375 = arith.constant 2.000000e+00 : f32
    %mul3A_376 = vector.broadcast %mul3A_375 : f32 to vector<128x512xf32>
    %mul3A_377 = arith.mulf %mul3A_376, %dot_general3A_374 : vector<128x512xf32>
    %sub3A_378 = vector.broadcast %get3A_4 : vector<128x1xf32> to vector<128x512xf32>
    %sub3A_379 = arith.subf %sub3A_378, %mul3A_377 : vector<128x512xf32>
    %get3A_380 = arith.constant 0 : index
    %get3A_381 = arith.constant 4096 : index
    %get3A_382 = vector.load %arg4[%get3A_380, %get3A_381] : memref<1x8192xf32, #tpu.memory_space<vmem>>, vector<1x512xf32>
    %add3A_383 = vector.broadcast %get3A_382 : vector<1x512xf32> to vector<128x512xf32>
    %add3A_384 = arith.addf %sub3A_379, %add3A_383 : vector<128x512xf32>
    %max3A_385 = arith.constant 0.000000e+00 : f32
    %max3A_386 = vector.broadcast %max3A_385 : f32 to vector<128x512xf32>
    %max3A_387 = arith.maximumf %add3A_384, %max3A_386 : vector<128x512xf32>
    %sqrt3A_388 = math.sqrt %max3A_387 : vector<128x512xf32>
    %slice3A_389 = vector.extract_strided_slice %sqrt3A_388 {offsets = [0, 0], sizes = [128, 128], strides = [1, 1]} : vector<128x512xf32> to vector<128x128xf32>
    %slice3A_390 = vector.extract_strided_slice %sqrt3A_388 {offsets = [0, 128], sizes = [128, 128], strides = [1, 1]} : vector<128x512xf32> to vector<128x128xf32>
    %lt3A_391 = arith.cmpf olt, %slice3A_390, %slice3A_389 : vector<128x128xf32>
    %min3A_392 = arith.minimumf %slice3A_389, %slice3A_390 : vector<128x128xf32>
    %jit3A_393 = arith.constant 3.300000e+01 : f32
    %jit3A_394 = arith.constant 3.200000e+01 : f32
    %broadcast_in_dim3A_395 = vector.broadcast %jit3A_393 : f32 to vector<128x128xf32>
    %broadcast_in_dim3A_396 = vector.broadcast %jit3A_394 : f32 to vector<128x128xf32>
    %select_n3A_397 = arith.select %lt3A_391, %broadcast_in_dim3A_395, %broadcast_in_dim3A_396 : vector<128x128xi1>, vector<128x128xf32>
    %lt3A_398 = arith.cmpf olt, %min3A_392, %select_n3A_368 : vector<128x128xf32>
    %select_n3A_399 = arith.select %lt3A_398, %min3A_392, %select_n3A_368 : vector<128x128xi1>, vector<128x128xf32>
    %select_n3A_400 = arith.select %lt3A_398, %select_n3A_397, %select_n3A_369 : vector<128x128xi1>, vector<128x128xf32>
    %slice3A_401 = vector.extract_strided_slice %sqrt3A_388 {offsets = [0, 256], sizes = [128, 128], strides = [1, 1]} : vector<128x512xf32> to vector<128x128xf32>
    %slice3A_402 = vector.extract_strided_slice %sqrt3A_388 {offsets = [0, 384], sizes = [128, 128], strides = [1, 1]} : vector<128x512xf32> to vector<128x128xf32>
    %lt3A_403 = arith.cmpf olt, %slice3A_402, %slice3A_401 : vector<128x128xf32>
    %min3A_404 = arith.minimumf %slice3A_401, %slice3A_402 : vector<128x128xf32>
    %jit3A_405 = arith.constant 3.500000e+01 : f32
    %jit3A_406 = arith.constant 3.400000e+01 : f32
    %broadcast_in_dim3A_407 = vector.broadcast %jit3A_405 : f32 to vector<128x128xf32>
    %broadcast_in_dim3A_408 = vector.broadcast %jit3A_406 : f32 to vector<128x128xf32>
    %select_n3A_409 = arith.select %lt3A_403, %broadcast_in_dim3A_407, %broadcast_in_dim3A_408 : vector<128x128xi1>, vector<128x128xf32>
    %lt3A_410 = arith.cmpf olt, %min3A_404, %select_n3A_399 : vector<128x128xf32>
    %select_n3A_411 = arith.select %lt3A_410, %min3A_404, %select_n3A_399 : vector<128x128xi1>, vector<128x128xf32>
    %select_n3A_412 = arith.select %lt3A_410, %select_n3A_409, %select_n3A_400 : vector<128x128xi1>, vector<128x128xf32>
    %get3A_413 = arith.constant 0 : index
    %get3A_414 = arith.constant 4608 : index
    %get3A_415 = vector.load %arg2[%get3A_413, %get3A_414] : memref<256x8192xbf16, #tpu.memory_space<vmem>>, vector<256x512xbf16>
    %dot_general3A_416 = arith.constant dense<0.000000e+00> : vector<128x512xf32>
    %dot_general3A_417 = tpu.matmul %convert_element_type3A, %get3A_415, %dot_general3A_416 {dimension_numbers = #tpu.dot_dimension_numbers<[1], [0], [0], [1], [0, 0, 1, 1], [], []>, transpose_lhs_hint = false} : vector<128x256xbf16>, vector<256x512xbf16>, vector<128x512xf32> -> vector<128x512xf32>
    %mul3A_418 = arith.constant 2.000000e+00 : f32
    %mul3A_419 = vector.broadcast %mul3A_418 : f32 to vector<128x512xf32>
    %mul3A_420 = arith.mulf %mul3A_419, %dot_general3A_417 : vector<128x512xf32>
    %sub3A_421 = vector.broadcast %get3A_4 : vector<128x1xf32> to vector<128x512xf32>
    %sub3A_422 = arith.subf %sub3A_421, %mul3A_420 : vector<128x512xf32>
    %get3A_423 = arith.constant 0 : index
    %get3A_424 = arith.constant 4608 : index
    %get3A_425 = vector.load %arg4[%get3A_423, %get3A_424] : memref<1x8192xf32, #tpu.memory_space<vmem>>, vector<1x512xf32>
    %add3A_426 = vector.broadcast %get3A_425 : vector<1x512xf32> to vector<128x512xf32>
    %add3A_427 = arith.addf %sub3A_422, %add3A_426 : vector<128x512xf32>
    %max3A_428 = arith.constant 0.000000e+00 : f32
    %max3A_429 = vector.broadcast %max3A_428 : f32 to vector<128x512xf32>
    %max3A_430 = arith.maximumf %add3A_427, %max3A_429 : vector<128x512xf32>
    %sqrt3A_431 = math.sqrt %max3A_430 : vector<128x512xf32>
    %slice3A_432 = vector.extract_strided_slice %sqrt3A_431 {offsets = [0, 0], sizes = [128, 128], strides = [1, 1]} : vector<128x512xf32> to vector<128x128xf32>
    %slice3A_433 = vector.extract_strided_slice %sqrt3A_431 {offsets = [0, 128], sizes = [128, 128], strides = [1, 1]} : vector<128x512xf32> to vector<128x128xf32>
    %lt3A_434 = arith.cmpf olt, %slice3A_433, %slice3A_432 : vector<128x128xf32>
    %min3A_435 = arith.minimumf %slice3A_432, %slice3A_433 : vector<128x128xf32>
    %jit3A_436 = arith.constant 3.700000e+01 : f32
    %jit3A_437 = arith.constant 3.600000e+01 : f32
    %broadcast_in_dim3A_438 = vector.broadcast %jit3A_436 : f32 to vector<128x128xf32>
    %broadcast_in_dim3A_439 = vector.broadcast %jit3A_437 : f32 to vector<128x128xf32>
    %select_n3A_440 = arith.select %lt3A_434, %broadcast_in_dim3A_438, %broadcast_in_dim3A_439 : vector<128x128xi1>, vector<128x128xf32>
    %lt3A_441 = arith.cmpf olt, %min3A_435, %select_n3A_411 : vector<128x128xf32>
    %select_n3A_442 = arith.select %lt3A_441, %min3A_435, %select_n3A_411 : vector<128x128xi1>, vector<128x128xf32>
    %select_n3A_443 = arith.select %lt3A_441, %select_n3A_440, %select_n3A_412 : vector<128x128xi1>, vector<128x128xf32>
    %slice3A_444 = vector.extract_strided_slice %sqrt3A_431 {offsets = [0, 256], sizes = [128, 128], strides = [1, 1]} : vector<128x512xf32> to vector<128x128xf32>
    %slice3A_445 = vector.extract_strided_slice %sqrt3A_431 {offsets = [0, 384], sizes = [128, 128], strides = [1, 1]} : vector<128x512xf32> to vector<128x128xf32>
    %lt3A_446 = arith.cmpf olt, %slice3A_445, %slice3A_444 : vector<128x128xf32>
    %min3A_447 = arith.minimumf %slice3A_444, %slice3A_445 : vector<128x128xf32>
    %jit3A_448 = arith.constant 3.900000e+01 : f32
    %jit3A_449 = arith.constant 3.800000e+01 : f32
    %broadcast_in_dim3A_450 = vector.broadcast %jit3A_448 : f32 to vector<128x128xf32>
    %broadcast_in_dim3A_451 = vector.broadcast %jit3A_449 : f32 to vector<128x128xf32>
    %select_n3A_452 = arith.select %lt3A_446, %broadcast_in_dim3A_450, %broadcast_in_dim3A_451 : vector<128x128xi1>, vector<128x128xf32>
    %lt3A_453 = arith.cmpf olt, %min3A_447, %select_n3A_442 : vector<128x128xf32>
    %select_n3A_454 = arith.select %lt3A_453, %min3A_447, %select_n3A_442 : vector<128x128xi1>, vector<128x128xf32>
    %select_n3A_455 = arith.select %lt3A_453, %select_n3A_452, %select_n3A_443 : vector<128x128xi1>, vector<128x128xf32>
    %get3A_456 = arith.constant 0 : index
    %get3A_457 = arith.constant 5120 : index
    %get3A_458 = vector.load %arg2[%get3A_456, %get3A_457] : memref<256x8192xbf16, #tpu.memory_space<vmem>>, vector<256x512xbf16>
    %dot_general3A_459 = arith.constant dense<0.000000e+00> : vector<128x512xf32>
    %dot_general3A_460 = tpu.matmul %convert_element_type3A, %get3A_458, %dot_general3A_459 {dimension_numbers = #tpu.dot_dimension_numbers<[1], [0], [0], [1], [0, 0, 1, 1], [], []>, transpose_lhs_hint = false} : vector<128x256xbf16>, vector<256x512xbf16>, vector<128x512xf32> -> vector<128x512xf32>
    %mul3A_461 = arith.constant 2.000000e+00 : f32
    %mul3A_462 = vector.broadcast %mul3A_461 : f32 to vector<128x512xf32>
    %mul3A_463 = arith.mulf %mul3A_462, %dot_general3A_460 : vector<128x512xf32>
    %sub3A_464 = vector.broadcast %get3A_4 : vector<128x1xf32> to vector<128x512xf32>
    %sub3A_465 = arith.subf %sub3A_464, %mul3A_463 : vector<128x512xf32>
    %get3A_466 = arith.constant 0 : index
    %get3A_467 = arith.constant 5120 : index
    %get3A_468 = vector.load %arg4[%get3A_466, %get3A_467] : memref<1x8192xf32, #tpu.memory_space<vmem>>, vector<1x512xf32>
    %add3A_469 = vector.broadcast %get3A_468 : vector<1x512xf32> to vector<128x512xf32>
    %add3A_470 = arith.addf %sub3A_465, %add3A_469 : vector<128x512xf32>
    %max3A_471 = arith.constant 0.000000e+00 : f32
    %max3A_472 = vector.broadcast %max3A_471 : f32 to vector<128x512xf32>
    %max3A_473 = arith.maximumf %add3A_470, %max3A_472 : vector<128x512xf32>
    %sqrt3A_474 = math.sqrt %max3A_473 : vector<128x512xf32>
    %slice3A_475 = vector.extract_strided_slice %sqrt3A_474 {offsets = [0, 0], sizes = [128, 128], strides = [1, 1]} : vector<128x512xf32> to vector<128x128xf32>
    %lt3A_476 = arith.cmpf olt, %slice3A_475, %select_n3A_454 : vector<128x128xf32>
    %select_n3A_477 = arith.select %lt3A_476, %slice3A_475, %select_n3A_454 : vector<128x128xi1>, vector<128x128xf32>
    %jit3A_478 = arith.constant 4.000000e+01 : f32
    %broadcast_in_dim3A_479 = vector.broadcast %jit3A_478 : f32 to vector<128x128xf32>
    %select_n3A_480 = arith.select %lt3A_476, %broadcast_in_dim3A_479, %select_n3A_455 : vector<128x128xi1>, vector<128x128xf32>
    %slice3A_481 = vector.extract_strided_slice %sqrt3A_474 {offsets = [0, 128], sizes = [128, 128], strides = [1, 1]} : vector<128x512xf32> to vector<128x128xf32>
    %lt3A_482 = arith.cmpf olt, %slice3A_481, %select_n3A_477 : vector<128x128xf32>
    %select_n3A_483 = arith.select %lt3A_482, %slice3A_481, %select_n3A_477 : vector<128x128xi1>, vector<128x128xf32>
    %jit3A_484 = arith.constant 4.100000e+01 : f32
    %broadcast_in_dim3A_485 = vector.broadcast %jit3A_484 : f32 to vector<128x128xf32>
    %select_n3A_486 = arith.select %lt3A_482, %broadcast_in_dim3A_485, %select_n3A_480 : vector<128x128xi1>, vector<128x128xf32>
    %slice3A_487 = vector.extract_strided_slice %sqrt3A_474 {offsets = [0, 256], sizes = [128, 128], strides = [1, 1]} : vector<128x512xf32> to vector<128x128xf32>
    %lt3A_488 = arith.constant 9.600000e+01 : f32
    %lt3A_489 = vector.broadcast %lt3A_488 : f32 to vector<128x128xf32>
    %lt3A_490 = arith.cmpf olt, %convert_element_type3A_5, %lt3A_489 : vector<128x128xf32>
    %select_n3A_491 = arith.select %lt3A_490, %slice3A_487, %broadcast_in_dim3A_6 : vector<128x128xi1>, vector<128x128xf32>
    %lt3A_492 = arith.cmpf olt, %select_n3A_491, %select_n3A_483 : vector<128x128xf32>
    %select_n3A_493 = arith.select %lt3A_492, %select_n3A_491, %select_n3A_483 : vector<128x128xi1>, vector<128x128xf32>
    %jit3A_494 = arith.constant 4.200000e+01 : f32
    %broadcast_in_dim3A_495 = vector.broadcast %jit3A_494 : f32 to vector<128x128xf32>
    %select_n3A_496 = arith.select %lt3A_492, %broadcast_in_dim3A_495, %select_n3A_486 : vector<128x128xi1>, vector<128x128xf32>
    %reduce_min3A_497 = arith.constant dense<0x7F800000> : vector<128xf32>
    %reduce_min3A_498 = vector.multi_reduction <minimumf>, %select_n3A_493, %reduce_min3A_497 [1] : vector<128x128xf32> to vector<128xf32>
    %broadcast_in_dim3A_499 = vector.shape_cast %reduce_min3A_498 : vector<128xf32> to vector<128x1xf32>
    %mul3A_500 = arith.constant 1.280000e+02 : f32
    %mul3A_501 = vector.broadcast %mul3A_500 : f32 to vector<128x128xf32>
    %mul3A_502 = arith.mulf %select_n3A_496, %mul3A_501 : vector<128x128xf32>
    %add3A_503 = arith.addf %mul3A_502, %convert_element_type3A_5 : vector<128x128xf32>
    %eq3A_504 = vector.broadcast %broadcast_in_dim3A_499 : vector<128x1xf32> to vector<128x128xf32>
    %eq3A_505 = arith.cmpf oeq, %select_n3A_493, %eq3A_504 : vector<128x128xf32>
    %jit3A_506 = arith.constant 8.192000e+03 : f32
    %broadcast_in_dim3A_507 = vector.broadcast %jit3A_506 : f32 to vector<128x128xf32>
    %select_n3A_508 = arith.select %eq3A_505, %add3A_503, %broadcast_in_dim3A_507 : vector<128x128xi1>, vector<128x128xf32>
    %reduce_min3A_509 = arith.constant dense<0x7F800000> : vector<128xf32>
    %reduce_min3A_510 = vector.multi_reduction <minimumf>, %select_n3A_508, %reduce_min3A_509 [1] : vector<128x128xf32> to vector<128xf32>
    %broadcast_in_dim3A_511 = vector.shape_cast %reduce_min3A_510 : vector<128xf32> to vector<128x1xf32>
    %broadcast_in_dim3A_512 = arith.constant 0.000000e+00 : f32
    %broadcast_in_dim3A_513 = vector.broadcast %broadcast_in_dim3A_512 : f32 to vector<128x128xf32>
    %lt3A_514 = arith.constant 9.600000e+01 : f32
    %lt3A_515 = vector.broadcast %lt3A_514 : f32 to vector<128x128xf32>
    %lt3A_516 = arith.cmpf olt, %convert_element_type3A_5, %lt3A_515 : vector<128x128xf32>
    %select_n3A_517 = arith.select %lt3A_516, %broadcast_in_dim3A_6, %slice3A_487 : vector<128x128xi1>, vector<128x128xf32>
    %lt3A_518 = arith.cmpf olt, %select_n3A_517, %broadcast_in_dim3A_6 : vector<128x128xf32>
    %select_n3A_519 = arith.select %lt3A_518, %select_n3A_517, %broadcast_in_dim3A_6 : vector<128x128xi1>, vector<128x128xf32>
    %jit3A_520 = arith.constant 4.200000e+01 : f32
    %broadcast_in_dim3A_521 = vector.broadcast %jit3A_520 : f32 to vector<128x128xf32>
    %select_n3A_522 = arith.select %lt3A_518, %broadcast_in_dim3A_521, %broadcast_in_dim3A_513 : vector<128x128xi1>, vector<128x128xf32>
    %slice3A_523 = vector.extract_strided_slice %sqrt3A_474 {offsets = [0, 384], sizes = [128, 128], strides = [1, 1]} : vector<128x512xf32> to vector<128x128xf32>
    %lt3A_524 = arith.cmpf olt, %slice3A_523, %select_n3A_519 : vector<128x128xf32>
    %select_n3A_525 = arith.select %lt3A_524, %slice3A_523, %select_n3A_519 : vector<128x128xi1>, vector<128x128xf32>
    %jit3A_526 = arith.constant 4.300000e+01 : f32
    %broadcast_in_dim3A_527 = vector.broadcast %jit3A_526 : f32 to vector<128x128xf32>
    %select_n3A_528 = arith.select %lt3A_524, %broadcast_in_dim3A_527, %select_n3A_522 : vector<128x128xi1>, vector<128x128xf32>
    %get3A_529 = arith.constant 0 : index
    %get3A_530 = arith.constant 5632 : index
    %get3A_531 = vector.load %arg2[%get3A_529, %get3A_530] : memref<256x8192xbf16, #tpu.memory_space<vmem>>, vector<256x512xbf16>
    %dot_general3A_532 = arith.constant dense<0.000000e+00> : vector<128x512xf32>
    %dot_general3A_533 = tpu.matmul %convert_element_type3A, %get3A_531, %dot_general3A_532 {dimension_numbers = #tpu.dot_dimension_numbers<[1], [0], [0], [1], [0, 0, 1, 1], [], []>, transpose_lhs_hint = false} : vector<128x256xbf16>, vector<256x512xbf16>, vector<128x512xf32> -> vector<128x512xf32>
    %mul3A_534 = arith.constant 2.000000e+00 : f32
    %mul3A_535 = vector.broadcast %mul3A_534 : f32 to vector<128x512xf32>
    %mul3A_536 = arith.mulf %mul3A_535, %dot_general3A_533 : vector<128x512xf32>
    %sub3A_537 = vector.broadcast %get3A_4 : vector<128x1xf32> to vector<128x512xf32>
    %sub3A_538 = arith.subf %sub3A_537, %mul3A_536 : vector<128x512xf32>
    %get3A_539 = arith.constant 0 : index
    %get3A_540 = arith.constant 5632 : index
    %get3A_541 = vector.load %arg4[%get3A_539, %get3A_540] : memref<1x8192xf32, #tpu.memory_space<vmem>>, vector<1x512xf32>
    %add3A_542 = vector.broadcast %get3A_541 : vector<1x512xf32> to vector<128x512xf32>
    %add3A_543 = arith.addf %sub3A_538, %add3A_542 : vector<128x512xf32>
    %max3A_544 = arith.constant 0.000000e+00 : f32
    %max3A_545 = vector.broadcast %max3A_544 : f32 to vector<128x512xf32>
    %max3A_546 = arith.maximumf %add3A_543, %max3A_545 : vector<128x512xf32>
    %sqrt3A_547 = math.sqrt %max3A_546 : vector<128x512xf32>
    %slice3A_548 = vector.extract_strided_slice %sqrt3A_547 {offsets = [0, 0], sizes = [128, 128], strides = [1, 1]} : vector<128x512xf32> to vector<128x128xf32>
    %slice3A_549 = vector.extract_strided_slice %sqrt3A_547 {offsets = [0, 128], sizes = [128, 128], strides = [1, 1]} : vector<128x512xf32> to vector<128x128xf32>
    %lt3A_550 = arith.cmpf olt, %slice3A_549, %slice3A_548 : vector<128x128xf32>
    %min3A_551 = arith.minimumf %slice3A_548, %slice3A_549 : vector<128x128xf32>
    %jit3A_552 = arith.constant 4.500000e+01 : f32
    %jit3A_553 = arith.constant 4.400000e+01 : f32
    %broadcast_in_dim3A_554 = vector.broadcast %jit3A_552 : f32 to vector<128x128xf32>
    %broadcast_in_dim3A_555 = vector.broadcast %jit3A_553 : f32 to vector<128x128xf32>
    %select_n3A_556 = arith.select %lt3A_550, %broadcast_in_dim3A_554, %broadcast_in_dim3A_555 : vector<128x128xi1>, vector<128x128xf32>
    %lt3A_557 = arith.cmpf olt, %min3A_551, %select_n3A_525 : vector<128x128xf32>
    %select_n3A_558 = arith.select %lt3A_557, %min3A_551, %select_n3A_525 : vector<128x128xi1>, vector<128x128xf32>
    %select_n3A_559 = arith.select %lt3A_557, %select_n3A_556, %select_n3A_528 : vector<128x128xi1>, vector<128x128xf32>
    %slice3A_560 = vector.extract_strided_slice %sqrt3A_547 {offsets = [0, 256], sizes = [128, 128], strides = [1, 1]} : vector<128x512xf32> to vector<128x128xf32>
    %slice3A_561 = vector.extract_strided_slice %sqrt3A_547 {offsets = [0, 384], sizes = [128, 128], strides = [1, 1]} : vector<128x512xf32> to vector<128x128xf32>
    %lt3A_562 = arith.cmpf olt, %slice3A_561, %slice3A_560 : vector<128x128xf32>
    %min3A_563 = arith.minimumf %slice3A_560, %slice3A_561 : vector<128x128xf32>
    %jit3A_564 = arith.constant 4.700000e+01 : f32
    %jit3A_565 = arith.constant 4.600000e+01 : f32
    %broadcast_in_dim3A_566 = vector.broadcast %jit3A_564 : f32 to vector<128x128xf32>
    %broadcast_in_dim3A_567 = vector.broadcast %jit3A_565 : f32 to vector<128x128xf32>
    %select_n3A_568 = arith.select %lt3A_562, %broadcast_in_dim3A_566, %broadcast_in_dim3A_567 : vector<128x128xi1>, vector<128x128xf32>
    %lt3A_569 = arith.cmpf olt, %min3A_563, %select_n3A_558 : vector<128x128xf32>
    %select_n3A_570 = arith.select %lt3A_569, %min3A_563, %select_n3A_558 : vector<128x128xi1>, vector<128x128xf32>
    %select_n3A_571 = arith.select %lt3A_569, %select_n3A_568, %select_n3A_559 : vector<128x128xi1>, vector<128x128xf32>
    %get3A_572 = arith.constant 0 : index
    %get3A_573 = arith.constant 6144 : index
    %get3A_574 = vector.load %arg2[%get3A_572, %get3A_573] : memref<256x8192xbf16, #tpu.memory_space<vmem>>, vector<256x512xbf16>
    %dot_general3A_575 = arith.constant dense<0.000000e+00> : vector<128x512xf32>
    %dot_general3A_576 = tpu.matmul %convert_element_type3A, %get3A_574, %dot_general3A_575 {dimension_numbers = #tpu.dot_dimension_numbers<[1], [0], [0], [1], [0, 0, 1, 1], [], []>, transpose_lhs_hint = false} : vector<128x256xbf16>, vector<256x512xbf16>, vector<128x512xf32> -> vector<128x512xf32>
    %mul3A_577 = arith.constant 2.000000e+00 : f32
    %mul3A_578 = vector.broadcast %mul3A_577 : f32 to vector<128x512xf32>
    %mul3A_579 = arith.mulf %mul3A_578, %dot_general3A_576 : vector<128x512xf32>
    %sub3A_580 = vector.broadcast %get3A_4 : vector<128x1xf32> to vector<128x512xf32>
    %sub3A_581 = arith.subf %sub3A_580, %mul3A_579 : vector<128x512xf32>
    %get3A_582 = arith.constant 0 : index
    %get3A_583 = arith.constant 6144 : index
    %get3A_584 = vector.load %arg4[%get3A_582, %get3A_583] : memref<1x8192xf32, #tpu.memory_space<vmem>>, vector<1x512xf32>
    %add3A_585 = vector.broadcast %get3A_584 : vector<1x512xf32> to vector<128x512xf32>
    %add3A_586 = arith.addf %sub3A_581, %add3A_585 : vector<128x512xf32>
    %max3A_587 = arith.constant 0.000000e+00 : f32
    %max3A_588 = vector.broadcast %max3A_587 : f32 to vector<128x512xf32>
    %max3A_589 = arith.maximumf %add3A_586, %max3A_588 : vector<128x512xf32>
    %sqrt3A_590 = math.sqrt %max3A_589 : vector<128x512xf32>
    %slice3A_591 = vector.extract_strided_slice %sqrt3A_590 {offsets = [0, 0], sizes = [128, 128], strides = [1, 1]} : vector<128x512xf32> to vector<128x128xf32>
    %slice3A_592 = vector.extract_strided_slice %sqrt3A_590 {offsets = [0, 128], sizes = [128, 128], strides = [1, 1]} : vector<128x512xf32> to vector<128x128xf32>
    %lt3A_593 = arith.cmpf olt, %slice3A_592, %slice3A_591 : vector<128x128xf32>
    %min3A_594 = arith.minimumf %slice3A_591, %slice3A_592 : vector<128x128xf32>
    %jit3A_595 = arith.constant 4.900000e+01 : f32
    %jit3A_596 = arith.constant 4.800000e+01 : f32
    %broadcast_in_dim3A_597 = vector.broadcast %jit3A_595 : f32 to vector<128x128xf32>
    %broadcast_in_dim3A_598 = vector.broadcast %jit3A_596 : f32 to vector<128x128xf32>
    %select_n3A_599 = arith.select %lt3A_593, %broadcast_in_dim3A_597, %broadcast_in_dim3A_598 : vector<128x128xi1>, vector<128x128xf32>
    %lt3A_600 = arith.cmpf olt, %min3A_594, %select_n3A_570 : vector<128x128xf32>
    %select_n3A_601 = arith.select %lt3A_600, %min3A_594, %select_n3A_570 : vector<128x128xi1>, vector<128x128xf32>
    %select_n3A_602 = arith.select %lt3A_600, %select_n3A_599, %select_n3A_571 : vector<128x128xi1>, vector<128x128xf32>
    %slice3A_603 = vector.extract_strided_slice %sqrt3A_590 {offsets = [0, 256], sizes = [128, 128], strides = [1, 1]} : vector<128x512xf32> to vector<128x128xf32>
    %slice3A_604 = vector.extract_strided_slice %sqrt3A_590 {offsets = [0, 384], sizes = [128, 128], strides = [1, 1]} : vector<128x512xf32> to vector<128x128xf32>
    %lt3A_605 = arith.cmpf olt, %slice3A_604, %slice3A_603 : vector<128x128xf32>
    %min3A_606 = arith.minimumf %slice3A_603, %slice3A_604 : vector<128x128xf32>
    %jit3A_607 = arith.constant 5.100000e+01 : f32
    %jit3A_608 = arith.constant 5.000000e+01 : f32
    %broadcast_in_dim3A_609 = vector.broadcast %jit3A_607 : f32 to vector<128x128xf32>
    %broadcast_in_dim3A_610 = vector.broadcast %jit3A_608 : f32 to vector<128x128xf32>
    %select_n3A_611 = arith.select %lt3A_605, %broadcast_in_dim3A_609, %broadcast_in_dim3A_610 : vector<128x128xi1>, vector<128x128xf32>
    %lt3A_612 = arith.cmpf olt, %min3A_606, %select_n3A_601 : vector<128x128xf32>
    %select_n3A_613 = arith.select %lt3A_612, %min3A_606, %select_n3A_601 : vector<128x128xi1>, vector<128x128xf32>
    %select_n3A_614 = arith.select %lt3A_612, %select_n3A_611, %select_n3A_602 : vector<128x128xi1>, vector<128x128xf32>
    %get3A_615 = arith.constant 0 : index
    %get3A_616 = arith.constant 6656 : index
    %get3A_617 = vector.load %arg2[%get3A_615, %get3A_616] : memref<256x8192xbf16, #tpu.memory_space<vmem>>, vector<256x512xbf16>
    %dot_general3A_618 = arith.constant dense<0.000000e+00> : vector<128x512xf32>
    %dot_general3A_619 = tpu.matmul %convert_element_type3A, %get3A_617, %dot_general3A_618 {dimension_numbers = #tpu.dot_dimension_numbers<[1], [0], [0], [1], [0, 0, 1, 1], [], []>, transpose_lhs_hint = false} : vector<128x256xbf16>, vector<256x512xbf16>, vector<128x512xf32> -> vector<128x512xf32>
    %mul3A_620 = arith.constant 2.000000e+00 : f32
    %mul3A_621 = vector.broadcast %mul3A_620 : f32 to vector<128x512xf32>
    %mul3A_622 = arith.mulf %mul3A_621, %dot_general3A_619 : vector<128x512xf32>
    %sub3A_623 = vector.broadcast %get3A_4 : vector<128x1xf32> to vector<128x512xf32>
    %sub3A_624 = arith.subf %sub3A_623, %mul3A_622 : vector<128x512xf32>
    %get3A_625 = arith.constant 0 : index
    %get3A_626 = arith.constant 6656 : index
    %get3A_627 = vector.load %arg4[%get3A_625, %get3A_626] : memref<1x8192xf32, #tpu.memory_space<vmem>>, vector<1x512xf32>
    %add3A_628 = vector.broadcast %get3A_627 : vector<1x512xf32> to vector<128x512xf32>
    %add3A_629 = arith.addf %sub3A_624, %add3A_628 : vector<128x512xf32>
    %max3A_630 = arith.constant 0.000000e+00 : f32
    %max3A_631 = vector.broadcast %max3A_630 : f32 to vector<128x512xf32>
    %max3A_632 = arith.maximumf %add3A_629, %max3A_631 : vector<128x512xf32>
    %sqrt3A_633 = math.sqrt %max3A_632 : vector<128x512xf32>
    %slice3A_634 = vector.extract_strided_slice %sqrt3A_633 {offsets = [0, 0], sizes = [128, 128], strides = [1, 1]} : vector<128x512xf32> to vector<128x128xf32>
    %slice3A_635 = vector.extract_strided_slice %sqrt3A_633 {offsets = [0, 128], sizes = [128, 128], strides = [1, 1]} : vector<128x512xf32> to vector<128x128xf32>
    %lt3A_636 = arith.cmpf olt, %slice3A_635, %slice3A_634 : vector<128x128xf32>
    %min3A_637 = arith.minimumf %slice3A_634, %slice3A_635 : vector<128x128xf32>
    %jit3A_638 = arith.constant 5.300000e+01 : f32
    %jit3A_639 = arith.constant 5.200000e+01 : f32
    %broadcast_in_dim3A_640 = vector.broadcast %jit3A_638 : f32 to vector<128x128xf32>
    %broadcast_in_dim3A_641 = vector.broadcast %jit3A_639 : f32 to vector<128x128xf32>
    %select_n3A_642 = arith.select %lt3A_636, %broadcast_in_dim3A_640, %broadcast_in_dim3A_641 : vector<128x128xi1>, vector<128x128xf32>
    %lt3A_643 = arith.cmpf olt, %min3A_637, %select_n3A_613 : vector<128x128xf32>
    %select_n3A_644 = arith.select %lt3A_643, %min3A_637, %select_n3A_613 : vector<128x128xi1>, vector<128x128xf32>
    %select_n3A_645 = arith.select %lt3A_643, %select_n3A_642, %select_n3A_614 : vector<128x128xi1>, vector<128x128xf32>
    %slice3A_646 = vector.extract_strided_slice %sqrt3A_633 {offsets = [0, 256], sizes = [128, 128], strides = [1, 1]} : vector<128x512xf32> to vector<128x128xf32>
    %slice3A_647 = vector.extract_strided_slice %sqrt3A_633 {offsets = [0, 384], sizes = [128, 128], strides = [1, 1]} : vector<128x512xf32> to vector<128x128xf32>
    %lt3A_648 = arith.cmpf olt, %slice3A_647, %slice3A_646 : vector<128x128xf32>
    %min3A_649 = arith.minimumf %slice3A_646, %slice3A_647 : vector<128x128xf32>
    %jit3A_650 = arith.constant 5.500000e+01 : f32
    %jit3A_651 = arith.constant 5.400000e+01 : f32
    %broadcast_in_dim3A_652 = vector.broadcast %jit3A_650 : f32 to vector<128x128xf32>
    %broadcast_in_dim3A_653 = vector.broadcast %jit3A_651 : f32 to vector<128x128xf32>
    %select_n3A_654 = arith.select %lt3A_648, %broadcast_in_dim3A_652, %broadcast_in_dim3A_653 : vector<128x128xi1>, vector<128x128xf32>
    %lt3A_655 = arith.cmpf olt, %min3A_649, %select_n3A_644 : vector<128x128xf32>
    %select_n3A_656 = arith.select %lt3A_655, %min3A_649, %select_n3A_644 : vector<128x128xi1>, vector<128x128xf32>
    %select_n3A_657 = arith.select %lt3A_655, %select_n3A_654, %select_n3A_645 : vector<128x128xi1>, vector<128x128xf32>
    %get3A_658 = arith.constant 0 : index
    %get3A_659 = arith.constant 7168 : index
    %get3A_660 = vector.load %arg2[%get3A_658, %get3A_659] : memref<256x8192xbf16, #tpu.memory_space<vmem>>, vector<256x512xbf16>
    %dot_general3A_661 = arith.constant dense<0.000000e+00> : vector<128x512xf32>
    %dot_general3A_662 = tpu.matmul %convert_element_type3A, %get3A_660, %dot_general3A_661 {dimension_numbers = #tpu.dot_dimension_numbers<[1], [0], [0], [1], [0, 0, 1, 1], [], []>, transpose_lhs_hint = false} : vector<128x256xbf16>, vector<256x512xbf16>, vector<128x512xf32> -> vector<128x512xf32>
    %mul3A_663 = arith.constant 2.000000e+00 : f32
    %mul3A_664 = vector.broadcast %mul3A_663 : f32 to vector<128x512xf32>
    %mul3A_665 = arith.mulf %mul3A_664, %dot_general3A_662 : vector<128x512xf32>
    %sub3A_666 = vector.broadcast %get3A_4 : vector<128x1xf32> to vector<128x512xf32>
    %sub3A_667 = arith.subf %sub3A_666, %mul3A_665 : vector<128x512xf32>
    %get3A_668 = arith.constant 0 : index
    %get3A_669 = arith.constant 7168 : index
    %get3A_670 = vector.load %arg4[%get3A_668, %get3A_669] : memref<1x8192xf32, #tpu.memory_space<vmem>>, vector<1x512xf32>
    %add3A_671 = vector.broadcast %get3A_670 : vector<1x512xf32> to vector<128x512xf32>
    %add3A_672 = arith.addf %sub3A_667, %add3A_671 : vector<128x512xf32>
    %max3A_673 = arith.constant 0.000000e+00 : f32
    %max3A_674 = vector.broadcast %max3A_673 : f32 to vector<128x512xf32>
    %max3A_675 = arith.maximumf %add3A_672, %max3A_674 : vector<128x512xf32>
    %sqrt3A_676 = math.sqrt %max3A_675 : vector<128x512xf32>
    %slice3A_677 = vector.extract_strided_slice %sqrt3A_676 {offsets = [0, 0], sizes = [128, 128], strides = [1, 1]} : vector<128x512xf32> to vector<128x128xf32>
    %slice3A_678 = vector.extract_strided_slice %sqrt3A_676 {offsets = [0, 128], sizes = [128, 128], strides = [1, 1]} : vector<128x512xf32> to vector<128x128xf32>
    %lt3A_679 = arith.cmpf olt, %slice3A_678, %slice3A_677 : vector<128x128xf32>
    %min3A_680 = arith.minimumf %slice3A_677, %slice3A_678 : vector<128x128xf32>
    %jit3A_681 = arith.constant 5.700000e+01 : f32
    %jit3A_682 = arith.constant 5.600000e+01 : f32
    %broadcast_in_dim3A_683 = vector.broadcast %jit3A_681 : f32 to vector<128x128xf32>
    %broadcast_in_dim3A_684 = vector.broadcast %jit3A_682 : f32 to vector<128x128xf32>
    %select_n3A_685 = arith.select %lt3A_679, %broadcast_in_dim3A_683, %broadcast_in_dim3A_684 : vector<128x128xi1>, vector<128x128xf32>
    %lt3A_686 = arith.cmpf olt, %min3A_680, %select_n3A_656 : vector<128x128xf32>
    %select_n3A_687 = arith.select %lt3A_686, %min3A_680, %select_n3A_656 : vector<128x128xi1>, vector<128x128xf32>
    %select_n3A_688 = arith.select %lt3A_686, %select_n3A_685, %select_n3A_657 : vector<128x128xi1>, vector<128x128xf32>
    %slice3A_689 = vector.extract_strided_slice %sqrt3A_676 {offsets = [0, 256], sizes = [128, 128], strides = [1, 1]} : vector<128x512xf32> to vector<128x128xf32>
    %slice3A_690 = vector.extract_strided_slice %sqrt3A_676 {offsets = [0, 384], sizes = [128, 128], strides = [1, 1]} : vector<128x512xf32> to vector<128x128xf32>
    %lt3A_691 = arith.cmpf olt, %slice3A_690, %slice3A_689 : vector<128x128xf32>
    %min3A_692 = arith.minimumf %slice3A_689, %slice3A_690 : vector<128x128xf32>
    %jit3A_693 = arith.constant 5.900000e+01 : f32
    %jit3A_694 = arith.constant 5.800000e+01 : f32
    %broadcast_in_dim3A_695 = vector.broadcast %jit3A_693 : f32 to vector<128x128xf32>
    %broadcast_in_dim3A_696 = vector.broadcast %jit3A_694 : f32 to vector<128x128xf32>
    %select_n3A_697 = arith.select %lt3A_691, %broadcast_in_dim3A_695, %broadcast_in_dim3A_696 : vector<128x128xi1>, vector<128x128xf32>
    %lt3A_698 = arith.cmpf olt, %min3A_692, %select_n3A_687 : vector<128x128xf32>
    %select_n3A_699 = arith.select %lt3A_698, %min3A_692, %select_n3A_687 : vector<128x128xi1>, vector<128x128xf32>
    %select_n3A_700 = arith.select %lt3A_698, %select_n3A_697, %select_n3A_688 : vector<128x128xi1>, vector<128x128xf32>
    %get3A_701 = arith.constant 0 : index
    %get3A_702 = arith.constant 7680 : index
    %get3A_703 = vector.load %arg2[%get3A_701, %get3A_702] : memref<256x8192xbf16, #tpu.memory_space<vmem>>, vector<256x512xbf16>
    %dot_general3A_704 = arith.constant dense<0.000000e+00> : vector<128x512xf32>
    %dot_general3A_705 = tpu.matmul %convert_element_type3A, %get3A_703, %dot_general3A_704 {dimension_numbers = #tpu.dot_dimension_numbers<[1], [0], [0], [1], [0, 0, 1, 1], [], []>, transpose_lhs_hint = false} : vector<128x256xbf16>, vector<256x512xbf16>, vector<128x512xf32> -> vector<128x512xf32>
    %mul3A_706 = arith.constant 2.000000e+00 : f32
    %mul3A_707 = vector.broadcast %mul3A_706 : f32 to vector<128x512xf32>
    %mul3A_708 = arith.mulf %mul3A_707, %dot_general3A_705 : vector<128x512xf32>
    %sub3A_709 = vector.broadcast %get3A_4 : vector<128x1xf32> to vector<128x512xf32>
    %sub3A_710 = arith.subf %sub3A_709, %mul3A_708 : vector<128x512xf32>
    %get3A_711 = arith.constant 0 : index
    %get3A_712 = arith.constant 7680 : index
    %get3A_713 = vector.load %arg4[%get3A_711, %get3A_712] : memref<1x8192xf32, #tpu.memory_space<vmem>>, vector<1x512xf32>
    %add3A_714 = vector.broadcast %get3A_713 : vector<1x512xf32> to vector<128x512xf32>
    %add3A_715 = arith.addf %sub3A_710, %add3A_714 : vector<128x512xf32>
    %max3A_716 = arith.constant 0.000000e+00 : f32
    %max3A_717 = vector.broadcast %max3A_716 : f32 to vector<128x512xf32>
    %max3A_718 = arith.maximumf %add3A_715, %max3A_717 : vector<128x512xf32>
    %sqrt3A_719 = math.sqrt %max3A_718 : vector<128x512xf32>
    %slice3A_720 = vector.extract_strided_slice %sqrt3A_719 {offsets = [0, 0], sizes = [128, 128], strides = [1, 1]} : vector<128x512xf32> to vector<128x128xf32>
    %slice3A_721 = vector.extract_strided_slice %sqrt3A_719 {offsets = [0, 128], sizes = [128, 128], strides = [1, 1]} : vector<128x512xf32> to vector<128x128xf32>
    %lt3A_722 = arith.cmpf olt, %slice3A_721, %slice3A_720 : vector<128x128xf32>
    %min3A_723 = arith.minimumf %slice3A_720, %slice3A_721 : vector<128x128xf32>
    %jit3A_724 = arith.constant 6.100000e+01 : f32
    %jit3A_725 = arith.constant 6.000000e+01 : f32
    %broadcast_in_dim3A_726 = vector.broadcast %jit3A_724 : f32 to vector<128x128xf32>
    %broadcast_in_dim3A_727 = vector.broadcast %jit3A_725 : f32 to vector<128x128xf32>
    %select_n3A_728 = arith.select %lt3A_722, %broadcast_in_dim3A_726, %broadcast_in_dim3A_727 : vector<128x128xi1>, vector<128x128xf32>
    %lt3A_729 = arith.cmpf olt, %min3A_723, %select_n3A_699 : vector<128x128xf32>
    %select_n3A_730 = arith.select %lt3A_729, %min3A_723, %select_n3A_699 : vector<128x128xi1>, vector<128x128xf32>
    %select_n3A_731 = arith.select %lt3A_729, %select_n3A_728, %select_n3A_700 : vector<128x128xi1>, vector<128x128xf32>
    %slice3A_732 = vector.extract_strided_slice %sqrt3A_719 {offsets = [0, 256], sizes = [128, 128], strides = [1, 1]} : vector<128x512xf32> to vector<128x128xf32>
    %slice3A_733 = vector.extract_strided_slice %sqrt3A_719 {offsets = [0, 384], sizes = [128, 128], strides = [1, 1]} : vector<128x512xf32> to vector<128x128xf32>
    %lt3A_734 = arith.cmpf olt, %slice3A_733, %slice3A_732 : vector<128x128xf32>
    %min3A_735 = arith.minimumf %slice3A_732, %slice3A_733 : vector<128x128xf32>
    %jit3A_736 = arith.constant 6.300000e+01 : f32
    %jit3A_737 = arith.constant 6.200000e+01 : f32
    %broadcast_in_dim3A_738 = vector.broadcast %jit3A_736 : f32 to vector<128x128xf32>
    %broadcast_in_dim3A_739 = vector.broadcast %jit3A_737 : f32 to vector<128x128xf32>
    %select_n3A_740 = arith.select %lt3A_734, %broadcast_in_dim3A_738, %broadcast_in_dim3A_739 : vector<128x128xi1>, vector<128x128xf32>
    %lt3A_741 = arith.cmpf olt, %min3A_735, %select_n3A_730 : vector<128x128xf32>
    %select_n3A_742 = arith.select %lt3A_741, %min3A_735, %select_n3A_730 : vector<128x128xi1>, vector<128x128xf32>
    %select_n3A_743 = arith.select %lt3A_741, %select_n3A_740, %select_n3A_731 : vector<128x128xi1>, vector<128x128xf32>
    %reduce_min3A_744 = arith.constant dense<0x7F800000> : vector<128xf32>
    %reduce_min3A_745 = vector.multi_reduction <minimumf>, %select_n3A_742, %reduce_min3A_744 [1] : vector<128x128xf32> to vector<128xf32>
    %broadcast_in_dim3A_746 = vector.shape_cast %reduce_min3A_745 : vector<128xf32> to vector<128x1xf32>
    %mul3A_747 = arith.constant 1.280000e+02 : f32
    %mul3A_748 = vector.broadcast %mul3A_747 : f32 to vector<128x128xf32>
    %mul3A_749 = arith.mulf %select_n3A_743, %mul3A_748 : vector<128x128xf32>
    %add3A_750 = arith.addf %mul3A_749, %convert_element_type3A_5 : vector<128x128xf32>
    %eq3A_751 = vector.broadcast %broadcast_in_dim3A_746 : vector<128x1xf32> to vector<128x128xf32>
    %eq3A_752 = arith.cmpf oeq, %select_n3A_742, %eq3A_751 : vector<128x128xf32>
    %jit3A_753 = arith.constant 8.192000e+03 : f32
    %broadcast_in_dim3A_754 = vector.broadcast %jit3A_753 : f32 to vector<128x128xf32>
    %select_n3A_755 = arith.select %eq3A_752, %add3A_750, %broadcast_in_dim3A_754 : vector<128x128xi1>, vector<128x128xf32>
    %reduce_min3A_756 = arith.constant dense<0x7F800000> : vector<128xf32>
    %reduce_min3A_757 = vector.multi_reduction <minimumf>, %select_n3A_755, %reduce_min3A_756 [1] : vector<128x128xf32> to vector<128xf32>
    %broadcast_in_dim3A_758 = vector.shape_cast %reduce_min3A_757 : vector<128xf32> to vector<128x1xf32>
    %convert_element_type3A_759 = arith.truncf %broadcast_in_dim3A_249 : vector<128x1xf32> to vector<128x1xbf16>
    %convert_element_type3A_760 = arith.extf %convert_element_type3A_759 : vector<128x1xbf16> to vector<128x1xf32>
    %lt3A_761 = arith.cmpf olt, %convert_element_type3A_760, %broadcast_in_dim3A_499 : vector<128x1xf32>
    %eq3A_762 = arith.cmpf oeq, %convert_element_type3A_760, %broadcast_in_dim3A_499 : vector<128x1xf32>
    %le3A = arith.cmpf ole, %broadcast_in_dim3A_260, %broadcast_in_dim3A_511 : vector<128x1xf32>
    %and3A = arith.andi %eq3A_762, %le3A : vector<128x1xi1>
    %or3A = arith.ori %lt3A_761, %and3A : vector<128x1xi1>
    %select_n3A_763 = arith.select %or3A, %convert_element_type3A_760, %broadcast_in_dim3A_499 : vector<128x1xi1>, vector<128x1xf32>
    %select_n3A_764 = arith.select %or3A, %broadcast_in_dim3A_260, %broadcast_in_dim3A_511 : vector<128x1xi1>, vector<128x1xf32>
    %convert_element_type3A_765 = arith.truncf %select_n3A_763 : vector<128x1xf32> to vector<128x1xbf16>
    %convert_element_type3A_766 = arith.extf %convert_element_type3A_765 : vector<128x1xbf16> to vector<128x1xf32>
    %lt3A_767 = arith.cmpf olt, %convert_element_type3A_766, %broadcast_in_dim3A_746 : vector<128x1xf32>
    %eq3A_768 = arith.cmpf oeq, %convert_element_type3A_766, %broadcast_in_dim3A_746 : vector<128x1xf32>
    %le3A_769 = arith.cmpf ole, %select_n3A_764, %broadcast_in_dim3A_758 : vector<128x1xf32>
    %and3A_770 = arith.andi %eq3A_768, %le3A_769 : vector<128x1xi1>
    %or3A_771 = arith.ori %lt3A_767, %and3A_770 : vector<128x1xi1>
    %select_n3A_772 = arith.select %or3A_771, %select_n3A_764, %broadcast_in_dim3A_758 : vector<128x1xi1>, vector<128x1xf32>
    %convert_element_type3A_773 = arith.fptosi %select_n3A_772 : vector<128x1xf32> to vector<128x1xi32>
    %swap3A = arith.constant 0 : index
    %swap3A_774 = arith.constant 0 : index
    %swap3A_775 = vector.load %arg5[%swap3A, %swap3A_774] : memref<128x1xi32, #tpu.memory_space<vmem>>, vector<128x1xi32>
    tpu.vector_store %arg5[%swap3A, %swap3A_774], %convert_element_type3A_773 {strides = array<i32>} : memref<128x1xi32, #tpu.memory_space<vmem>>, vector<128x1xi32>,
    return
  }
  func.func @transform_0(%arg0: i32) -> (i32, i32) {
    %c0_i32 = arith.constant 0 : i32
    %c0_i32_0 = arith.constant 0 : i32
    return %arg0, %c0_i32 : i32, i32
  }
  func.func @transform_1(%arg0: i32) -> (i32, i32) {
    %c0_i32 = arith.constant 0 : i32
    %c0_i32_0 = arith.constant 0 : i32
    %c0_i32_1 = arith.constant 0 : i32
    return %c0_i32, %c0_i32_0 : i32, i32
  }
  func.func @transform_2(%arg0: i32) -> (i32, i32) {
    %c0_i32 = arith.constant 0 : i32
    %c0_i32_0 = arith.constant 0 : i32
    return %arg0, %c0_i32 : i32, i32
  }
  func.func @transform_3(%arg0: i32) -> (i32, i32) {
    %c0_i32 = arith.constant 0 : i32
    %c0_i32_0 = arith.constant 0 : i32
    %c0_i32_1 = arith.constant 0 : i32
    return %c0_i32, %c0_i32_0 : i32, i32
  }
  func.func @transform_4(%arg0: i32) -> (i32, i32) {
    %c0_i32 = arith.constant 0 : i32
    %c0_i32_0 = arith.constant 0 : i32
    return %arg0, %c0_i32 : i32, i32
  }
}

</mosaic_0001>

<sc_bundles>
// kernel: kernel.6.cloned.1.call-start
scs
__scs_entry_jumppad:
0x0: {  	(pc) =	sbr.rel $0x88, $3  }
0x1: {  	(tag) =	ssettag $0x0;
	lr =	simm.s32 $0x1  }
0x2: {  	[smem:$0x3F9F] =	sst lr;
	_ =	strace $0xD0000000  }
0x3: {  	_ = 	snop  }
0x4: {  	_ = 	snop  }
0x5: {  	_ = 	snop  }
0x6: {  	_ = 	snop  }
0x7: {  	_ = 	snop  }
__scs_overlays_trampoline_lowered:
0x8: {  	[smem:$0x3FAE] =	sst s0  }
0x9: {  	[smem:$0x3FAF] =	sst s1  }
0xa: {  	[smem:$0x3FB0] =	sst s2  }
0xb: {  	[smem:$0x3FB1] =	sst s3  }
0xc: {  	[smem:$0x3FB2] =	sst s4  }
0xd: {  	[smem:$0x3FB3] =	sst s5  }
0xe: {  	[smem:$0x3FB4] =	sst s6  }
0xf: {  	[smem:$0x3FB5] =	sst s7  }
0x10: {  	[smem:$0x3FB6] =	sst s8  }
0x11: {  	[smem:$0x3FB7] =	sst s9;
	s0 =	simm.s32 @!p0 $0x0  }
0x12: {  	s1 =	sld [smem:$0x3F9D];
	s0 =	simm.s32 @p0 $0x1  }
0x13: {  	[smem:$0x3FB8] =	sst s0;
	s0 =	simm.s32 @!p1 $0x0  }
0x14: {  	s2 =	sld [smem:$0x3F9C];
	s0 =	simm.s32 @p1 $0x1  }
0x15: {  	[smem:$0x3FB9] =	sst s0;
	s0 =	simm.s32 @!p2 $0x0  }
0x16: {  	s3 =	sld [smem:$0x3FDB];
	s0 =	simm.s32 @p2 $0x1  }
0x17: {  	s4 =	simm.s32 $0x1BF5;
	[smem:$0x3FBB] =	sst s0  }
0x18: {  	s0 =	sld [smem:$0x3F9E];
	_ =	swait.ge [sflag:s4], $0x0  }
0x19: {  	s7 =	sld [smem:$0x3F9F]  }
0x1a: {  	s8 =	sadd.s32 $0xFFFFE003, lr  }
0x1b: {  	s9 =	sadd.s32 $0xFFFFFEF7, lr;
	s5 =	simm.s32 $0xFFFFFFFF;
	p2 =	slt.u32 s8, $0xFFFFF086  }
0x1c: {  	p1 =	slt.u32 s9, $0xF7A;
	s5 =	simm.s32 @!p2 $0x0  }
0x1d: {  	s5 =	simm.s32 @p1 $0x1;
	p0 =	seq.s32 s7, s2  }
0x1e: {  	s7 =	smul.u32 @!p0 $0xF7A, s2;
	p2 =	seq.s32 @!p0 s5, $0x0  }
0x1f: {  	s9 =	smul.u32 $0xF7A, s1;
	s8 =	simm.s32 @!p0 $0x1BF5;
	p2 =	por !p2, p0  }
0x20: {  	[sflag:s8] =	ssyncset.s32 @!p0 $0xFFFFF086;
	s6 =	sadd.s32 @!p0 s3, s7;
	s7 =	simm.s32 @!p0 $0x108  }
0x21: {  	s3 =	sadd.s32 s3, s9;
	s6 =	sadd.s32 @!p0 $0x88, s6;
	s7 =	simm.s32 @p2 $0x1082  }
0x22: {  	[simem:s7], [sflag:s8] =	dma.local @!p0 [hbm:s6], $0xF7A  }
0x23: {  	s9 =	sor.u32 $0xD0000000, s2;
	s6 =	simm.s32 $0x108;
	_ =	swait.ge @!p0 [sflag:s8], $0x0  }
0x24: {  	s3 =	sadd.s32 $0x88, s3;
	s6 =	simm.s32 @!p1 $0x1082;
	[sflag:s4] =	ssyncset.s32 $0xFFFFF086  }
0x25: {  	[simem:s6], [sflag:s4] =	dma.local [hbm:s3], $0xF7A  }
0x26: {  	[smem:$0x3F9F] =	sst s1;
	(tag) =	ssettag s2;
	_ =	strace s9  }
0x27: {  	s1 =	sld [smem:$0x3FAF]  }
0x28: {  	s2 =	sld [smem:$0x3FB0]  }
0x29: {  	s4 =	sld [smem:$0x3FB2]  }
0x2a: {  	p0 =	seq.s32 s5, $0x0;
	s5 =	sld [smem:$0x3FB3]  }
0x2b: {  	s6 =	sld [smem:$0x3FB4]  }
0x2c: {  	s7 =	sld [smem:$0x3FB5]  }
0x2d: {  	s3 =	simm.s32 $0x108;
	s8 =	sld [smem:$0x3FB6]  }
0x2e: {  	s3 =	simm.s32 @!p0 $0x1082;
	s9 =	sld [smem:$0x3FB7]  }
0x2f: {  	lr =	sadd.s32 s0, s3;
	s0 =	sld [smem:$0x3FAE]  }
0x30: {  	s3 =	sld [smem:$0x3FB1]  }
0x31: {  	[smem:$0x3FBA] =	sst s10  }
0x32: {  	s10 =	sld [smem:$0x3FB8];
	_ =	sdelay $0x3  }
0x33: {  	p0 =	seq.s32 s10, $0x1;
	s10 =	sld [smem:$0x3FBA];
	_ =	sdelay $0x3  }
0x34: {  	[smem:$0x3FBA] =	sst s10  }
0x35: {  	s10 =	sld [smem:$0x3FB9];
	_ =	sdelay $0x3  }
0x36: {  	p1 =	seq.s32 s10, $0x1;
	s10 =	sld [smem:$0x3FBA];
	_ =	sdelay $0x3  }
0x37: {  	[smem:$0x3FBA] =	sst s10  }
0x38: {  	s10 =	sld [smem:$0x3FBB]  }
0x39: {  	_ = 	snop;
	(pc) =	sbr.ind lr, $3  }
0x3a: {  	_ = 	snop  }
0x3b: {  	_ = 	snop  }
0x3c: {  	p2 =	seq.s32 s10, $0x1;
	s10 =	sld [smem:$0x3FBA]  }
0x3d: {  	_ =	shalt  }
0x3e: {  	_ =	shalt  }
0x3f: {  	_ =	shalt  }
0x40: {  	_ =	shalt  }
0x41: {  	_ =	shalt  }
0x42: {  	_ =	shalt  }
0x43: {  	_ =	shalt  }
0x44: {  	_ =	shalt  }
0x45: {  	_ =	shalt  }
0x46: {  	_ =	shalt  }
0x47: {  	_ =	shalt  }
0x48: {  	_ =	shalt  }
0x49: {  	_ =	shalt  }
0x4a: {  	_ =	shalt  }
0x4b: {  	_ =	shalt  }
0x4c: {  	_ =	shalt  }
0x4d: {  	_ =	shalt  }
0x4e: {  	_ =	shalt  }
0x4f: {  	_ =	shalt  }
0x50: {  	_ =	shalt  }
0x51: {  	_ =	shalt  }
0x52: {  	_ =	shalt  }
0x53: {  	_ =	shalt  }
0x54: {  	_ =	shalt  }
0x55: {  	_ =	shalt  }
0x56: {  	_ =	shalt  }
0x57: {  	_ =	shalt  }
0x58: {  	_ =	shalt  }
0x59: {  	_ =	shalt  }
0x5a: {  	_ =	shalt  }
0x5b: {  	_ =	shalt  }
0x5c: {  	_ =	shalt  }
0x5d: {  	_ =	shalt  }
0x5e: {  	_ =	shalt  }
0x5f: {  	_ =	shalt  }
0x60: {  	_ =	shalt  }
0x61: {  	_ =	shalt  }
0x62: {  	_ =	shalt  }
0x63: {  	_ =	shalt  }
0x64: {  	_ =	shalt  }
0x65: {  	_ =	shalt  }
0x66: {  	_ =	shalt  }
0x67: {  	_ =	shalt  }
0x68: {  	_ =	shalt  }
0x69: {  	_ =	shalt  }
0x6a: {  	_ =	shalt  }
0x6b: {  	_ =	shalt  }
0x6c: {  	_ =	shalt  }
0x6d: {  	_ =	shalt  }
0x6e: {  	_ =	shalt  }
0x6f: {  	_ =	shalt  }
0x70: {  	_ =	shalt  }
0x71: {  	_ =	shalt  }
0x72: {  	_ =	shalt  }
0x73: {  	_ =	shalt  }
0x74: {  	_ =	shalt  }
0x75: {  	_ =	shalt  }
0x76: {  	_ =	shalt  }
0x77: {  	_ =	shalt  }
0x78: {  	_ =	shalt  }
0x79: {  	_ =	shalt  }
0x7a: {  	_ =	shalt  }
0x7b: {  	_ =	shalt  }
0x7c: {  	_ =	shalt  }
0x7d: {  	_ =	shalt  }
0x7e: {  	_ =	shalt  }
0x7f: {  	_ =	shalt  }
0x80: {  	_ =	shalt  }
0x81: {  	_ =	shalt  }
0x82: {  	_ =	shalt  }
0x83: {  	_ =	shalt  }
0x84: {  	_ =	shalt  }
0x85: {  	_ =	shalt  }
0x86: {  	_ =	shalt  }
0x87: {  	_ =	shalt  }
.Lfunc_end0:
.L_simem_size_0:
called_computation_lowered:
.L_overlay_start_0:
0x88: {  	s2 =	sld [smem:$0x3FD9]  }
0x89: {  	s3 =	sld [smem:$0x3FFE];
	_ =	sdelay $0x1  }
0x8a: {  	s1 =	srdreg.scid  }
0x8b: {  	s0 =	sand.u32 $0x1, s1  }
0x8c: {  	s17 =	sshll.u32 s0, $0xA;
	s2 =	sadd.s32 s3, s2  }
0x8d: {  	s2 =	sadd.s32 s2, s17  }
0x8e: {  	[smem:$0x3FC6] =	sst s2  }
0x8f: {  	_ = 	snop  }
0x90: {  	s2 =	sld [smem:$0x3FC8];
	(tm) =	ssettm $0x1  }
0x91: {  	s18 =	sld [smem:$0x3FFB];
	_ =	sdelay $0x3  }
0x92: {  	_ =	strace s18  }
0x93: {  	s3 =	sld [smem:$0x3FFC];
	_ =	sdelay $0x3  }
0x94: {  	_ =	strace s3  }
0x95: {  	s3 =	sld [smem:$0x3FFD];
	_ =	sdelay $0x3  }
0x96: {  	_ =	strace s3  }
0x97: {  	_ =	strace $0x8FFFFFFF  }
0x98: {  	s19 =	sld [smem:$0x3FDB];
	_ =	sdelay $0x1  }
0x99: {  	s4 =	simm.s32 $_scs_section_size  }
0x9a: {  	s5 =	simm.s32 $_size__tile_overlayer_lowered;
	s6 =	simm.s32 $_tile_overlayer_lowered  }
0x9b: {  	s22 =	simm.s32 $0x1BFF;
	s21 =	sshll.u32 s6, $0x1;
	s3 =	sadd.s32 s4, s19  }
0x9c: {  	s7 =	simm.s32 $0x0;
	s20 =	sshll.u32 s5, $0x1;
	s5 =	sadd.s32 s21, s3  }
0x9d: {  	[timem:s7], [sflag:s22] =	dma.local [hbm:s5], s20  }
0x9e: {  	_ =	swait.ge [sflag:s22], s20  }
0x9f: {  	s4 =	ssub.s32 $0x0, s20;
	[sflag:s22] =	ssyncset.done $0x0  }
0xa0: {  	[sflag:s22] =	ssyncadd.s32 s4;
	_ =	sdelay $0x1  }
0xa1: {  	s23 =	simm.s32 $0x1B8B  }
0xa2: {  	_ =	swait.ge [sflag:s23], $0x1  }
0xa3: {  	[sflag:s23] =	ssyncset.done $0x0  }
0xa4: {  	s25 =	simm.s32 $0x1B8E;
	s24 =	sld [smem:$0x3FFE];
	[sflag:s23] =	ssyncadd.s32 $0xFFFFFFFF  }
0xa5: {  	s26 =	simm.s32 $execute0_lowered;
	[smem:$0x3FD2] =	sst s25  }
0xa6: {  	s5 =	sshll.u32 s26, $0x1;
	_ =	strace $0x80000046;
	[dreg:$0x1] =	wrdreg $0xFFFFFFFF  }
0xa7: {  	s28 =	simm.s32 $_size_execute0_lowered;
	s3 =	sadd.s32 s3, s5;
	[dreg:$0x0] =	wrdreg $0x0  }
0xa8: {  	s5 =	sshll.u32 s28, $0x1;
	[dreg:$0x2] =	wrdreg s3  }
0xa9: {  	[dreg:$0x3] =	wrdreg s5  }
0xaa: {  	[dreg:$0x4] =	wrdreg $0xC0  }
0xab: {  	_ =	task [dreg:s7], $0x5FFFF  }
0xac: {  	[dreg:$0x1] =	wrdreg $0xFFFFFFFF  }
0xad: {  	[dreg:$0x0] =	wrdreg $0x60  }
0xae: {  	[dreg:$0x2] =	wrdreg s2  }
0xaf: {  	[dreg:$0x3] =	wrdreg s24  }
0xb0: {  	[dreg:$0x4] =	wrdreg $0x9  }
0xb1: {  	_ =	task.clear_ibuf [dreg:s7], $0x5FFFF;
	_ =	strace $0x90000046  }
0xb2: {  	s29 =	simm.s32 $0x9;
	_ =	strace $0x80000048  }
0xb3: {  	_ =	swait.ge [sflag:s29], $0x1  }
0xb4: {  	[sflag:s29] =	ssyncadd.s32 $0xFFFFFFFF  }
0xb5: {  	_ =	strace $0x90000048  }
0xb6: {  	_ =	sfence  }
0xb7: {  	s30 =	sld [smem:$0x0];
	_ =	sdelay $0x2  }
0xb8: {  	s31 =	sshll.u32 s1, $0xD;
	s1 =	sshrl.u32 s1, $0x2  }
0xb9: {  	s3 =	sand.u32 $0x4000, s31;
	s1 =	sadd.s32 s1, s30  }
0xba: {  	s0 =	sor.u32 s3, s0;
	s1 =	sshll.u32 s1, $0x11  }
0xbb: {  	s0 =	sor.u32 s1, s0  }
0xbc: {  	s0 =	sadd.s32 $0x8F2B, s0  }
0xbd: {  	[sflag:s0] =	ssyncadd.remote.s32 $0x1  }
0xbe: {  	_ =	sfence.sel $0xFFFF  }
0xbf: {  	[dreg:$0x0] =	wrdreg $0xFFFFFFFF;
	(pc) =	sbr.abs _section_cstart, $3  }
0xc0: {  	[dreg:$0x1] =	wrdreg $0xFFFFFFFF  }
0xc1: {  	_ =	task.clear_ibuf [dreg:s7], $0x2FFFF;
	_ =	strace $0x9FFFFFFF  }
0xc2: {  	(tm) =	ssettm $0x7FFFFFFF  }
0xc3: {  	_ =	shalt  }
tec
execute0_lowered:
.L_overlay_start_1:
0x0: {  	(tag) =	ssettag $0x1  }
0x1: {  	s1 =	rddreg [dreg:$0x0]  }
0x2: {  	s2 =	rddreg [dreg:$0x1]  }
0x3: {  	s3 =	simm.s32 $0x0;
	s4 =	srdreg.scid;
	s10 =	simm.s32 $0x80  }
0x4: {  	s11 =	simm.s32 $0x880;
	s12 =	simm.s32 $0x1080;
	s13 =	simm.s32 $0x1880  }
0x5: {  	s14 =	simm.s32 $0x2080;
	s15 =	simm.s32 $0x2880;
	s16 =	simm.s32 $0x3080  }
0x6: {  	s17 =	simm.s32 $0x3880;
	s18 =	simm.s32 $0x4080;
	s19 =	simm.s32 $0x1  }
0x7: {  	s20 =	simm.s32 $0x0;
	[smem:$0x7FF] =	sst s3;
	s6 =	sand.u32 $0x1, s4  }
0x8: {  	s5 =	sadd.s32 $0x60000, s2;
	s4 =	stileid.u32;
	s7 =	ssub.s32 $0x2, s6  }
0x9: {  	v2 =	vlaneseq.u32;
	_ =	strace $0x80000047;
	s31 =	sshll.u32 s4, $0x9;
	s8 =	sshrl.u32 s7, $0x1  }
0xa: {  	vm0 =	vmmov $0xffff;
	v1 =	vshrl.u32 v2, $0x3;
	s9 =	sshll.u32 s6, $0x8;
	s6 =	sadd.s32 $0x60400, s2;
	s8 =	ssub.s32 s7, s8  }
0xb: {  	v0 =	vand.u32 $0x7, v2;
	v2 =	vor.u32 $0x8, v2;
	v1 =	vmul.u32 $0x8, v1;
	s7 =	sor.u32 s9, s31;
	s9 =	simm.s32 $0x2;
	s8 =	smax.u32 s8, $0x1  }
.LBB2_1:
0xc: {  	s21 =	simm.s32 $0x0  }
.LBB2_2:
0xd: {  	s22 =	sshll.u32 s21, $0x6  }
0xe: {  	s22 =	sadd.s32 s7, s22  }
0xf: {  	s23 =	sshrl.u32 s22, $0x3  }
0x10: {  	s24 =	simm.s32 $0x0;
	s23 =	sadd.s32 s5, s23  }
0x11: {  	[tilespmem:s24], [sflag:$0x2] =	stream.linear.gather [hbm4b:s23+s24], $0x40, $0x38;
	[tilespmem:$0x8080] =	vst v63  }
0x12: {  	_ =	swait.ge [sflag:s9], $0x40  }
0x13: {  	[sflag:s9] =	ssyncset.done $0x0  }
0x14: {  	[sflag:s9] =	ssyncadd.s32 $0xFFFFFFC0  }
0x15: {  	v3 =	vld [tilespmem:$0x0];
	_ =	sdelay $0x4  }
0x16: {  	v4 =	vshll.u32 v3, $0x1  }
0x17: {  	v3 =	vand.u32 $0x7, v3;
	v4 =	vand.u32 $0xFFFFFFF0, v4  }
0x18: {  	v3 =	vor.u32 v3, v4  }
0x19: {  	v4 =	vperm.xlane v3, v0;
	_ =	sdelay $0x1  }
0x1a: {  	v3 =	vperm.xlane v3, v2;
	v4 =	vadd.s32 v1, v4;
	_ =	sdelay $0x1  }
0x1b: {  	v3 =	vadd.s32 v1, v3;
	_ =	sdelay $0x2  }
0x1c: {  	[tilespmem:s10], [sflag:$0x1] =	stream.indirect_vreg.gather [hbm4b:s1+s24], $0x80, v4, vm0, $0xb8;
	[tilespmem:$0x8080] =	vst v63  }
0x1d: {  	_ = 	snop  }
0x1e: {  	[tilespmem:s11], [sflag:$0x1] =	stream.indirect_vreg.gather [hbm4b:s1+s24], $0x80, v3, vm0, $0xb8;
	[tilespmem:$0x8080] =	vst v63  }
0x1f: {  	v3 =	vld [tilespmem:$0x10];
	_ =	sdelay $0x4  }
0x20: {  	v4 =	vshll.u32 v3, $0x1  }
0x21: {  	v3 =	vand.u32 $0x7, v3;
	v4 =	vand.u32 $0xFFFFFFF0, v4  }
0x22: {  	v3 =	vor.u32 v3, v4  }
0x23: {  	v4 =	vperm.xlane v3, v0;
	_ =	sdelay $0x1  }
0x24: {  	v3 =	vperm.xlane v3, v2;
	v4 =	vadd.s32 v1, v4;
	_ =	sdelay $0x1  }
0x25: {  	v3 =	vadd.s32 v1, v3;
	_ =	sdelay $0x2  }
0x26: {  	[tilespmem:s12], [sflag:$0x1] =	stream.indirect_vreg.gather [hbm4b:s1+s24], $0x80, v4, vm0, $0xb8;
	[tilespmem:$0x8080] =	vst v63  }
0x27: {  	_ = 	snop  }
0x28: {  	[tilespmem:s13], [sflag:$0x1] =	stream.indirect_vreg.gather [hbm4b:s1+s24], $0x80, v3, vm0, $0xb8;
	[tilespmem:$0x8080] =	vst v63  }
0x29: {  	v3 =	vld [tilespmem:$0x20];
	_ =	sdelay $0x4  }
0x2a: {  	v4 =	vshll.u32 v3, $0x1  }
0x2b: {  	v3 =	vand.u32 $0x7, v3;
	v4 =	vand.u32 $0xFFFFFFF0, v4  }
0x2c: {  	v3 =	vor.u32 v3, v4  }
0x2d: {  	v4 =	vperm.xlane v3, v0;
	_ =	sdelay $0x1  }
0x2e: {  	v3 =	vperm.xlane v3, v2;
	v4 =	vadd.s32 v1, v4;
	_ =	sdelay $0x1  }
0x2f: {  	v3 =	vadd.s32 v1, v3;
	_ =	sdelay $0x2  }
0x30: {  	[tilespmem:s14], [sflag:$0x1] =	stream.indirect_vreg.gather [hbm4b:s1+s24], $0x80, v4, vm0, $0xb8;
	[tilespmem:$0x8080] =	vst v63  }
0x31: {  	_ = 	snop  }
0x32: {  	[tilespmem:s15], [sflag:$0x1] =	stream.indirect_vreg.gather [hbm4b:s1+s24], $0x80, v3, vm0, $0xb8;
	[tilespmem:$0x8080] =	vst v63  }
0x33: {  	v3 =	vld [tilespmem:$0x30];
	_ =	sdelay $0x4  }
0x34: {  	v4 =	vshll.u32 v3, $0x1  }
0x35: {  	v3 =	vand.u32 $0x7, v3;
	v4 =	vand.u32 $0xFFFFFFF0, v4  }
0x36: {  	v3 =	vor.u32 v3, v4  }
0x37: {  	v4 =	vperm.xlane v3, v0;
	_ =	sdelay $0x1  }
0x38: {  	v3 =	vperm.xlane v3, v2;
	v4 =	vadd.s32 v1, v4;
	_ =	sdelay $0x1  }
0x39: {  	v3 =	vadd.s32 v1, v3;
	_ =	sdelay $0x2  }
0x3a: {  	[tilespmem:s16], [sflag:$0x1] =	stream.indirect_vreg.gather [hbm4b:s1+s24], $0x80, v4, vm0, $0xb8;
	[tilespmem:$0x8080] =	vst v63  }
0x3b: {  	s22 =	sshll.u32 s22, $0x5  }
0x3c: {  	[tilespmem:s17], [sflag:$0x1] =	stream.indirect_vreg.gather [hbm4b:s1+s24], $0x80, v3, vm0, $0xb8;
	[tilespmem:$0x8080] =	vst v63  }
0x3d: {  	s30 =	sadd.s32 s2, s22  }
0x3e: {  	[tilespmem:s18], [sflag:$0x2] =	stream.linear.gather [hbm4b:s30+s24], $0x4000, $0x38;
	[tilespmem:$0x8080] =	vst v63  }
0x3f: {  	_ =	swait.ge [sflag:s9], $0x4000  }
0x40: {  	s25 =	simm.s32 $0x0;
	s26 =	simm.s32 $0x0;
	[sflag:s9] =	ssyncset.done $0x0  }
0x41: {  	s31 =	sand.u32 $0x40, s24;
	s24 =	sand.u32 $0x400, s24;
	[sflag:s9] =	ssyncadd.s32 $0xFFFFC000  }
0x42: {  	s25 =	sand.u32 $0x3800, s25;
	s23 =	sor.u32 s31, s24;
	_ =	swait.ge [sflag:s19], $0x4000  }
0x43: {  	s0 =	sand.u32 $0x380, s26;
	s23 =	sor.u32 s25, s23;
	[sflag:s19] =	ssyncset.done $0x0  }
0x44: {  	s23 =	sor.u32 s0, s23;
	[sflag:s19] =	ssyncadd.s32 $0xFFFFC000  }
0x45: {  	v4 =	vld [tilespmem:s23+$0xB0]  }
0x46: {  	v5 =	vld [tilespmem:s23+$0xA0]  }
0x47: {  	v6 =	vld [tilespmem:s23+$0x40B0]  }
0x48: {  	s29 =	simm.s32 $0x200;
	s26 =	simm.s32 $0x40;
	v9 =	vld [tilespmem:s23+$0x80]  }
0x49: {  	s30 =	simm.s32 $0x40;
	s24 =	sand.u32 $0x40, s26;
	s25 =	sand.u32 $0x400, s29;
	v3 =	vld [tilespmem:s23+$0x90]  }
0x4a: {  	s28 =	simm.s32 $0x20;
	s26 =	sand.u32 $0x3800, s30;
	s24 =	sor.u32 s24, s25;
	v10 =	vld [tilespmem:s23+$0x40A0]  }
0x4b: {  	s31 =	sand.u32 $0x380, s28;
	s24 =	sor.u32 s26, s24;
	v11 =	vld [tilespmem:s23+$0x4080]  }
0x4c: {  	s24 =	sor.u32 s31, s24;
	v8 =	vld [tilespmem:s23+$0x4090];
	v7 =	vsub.f32 v6, v4  }
0x4d: {  	v4 =	vld [tilespmem:s24+$0xB0]  }
0x4e: {  	v6 =	vld [tilespmem:s24+$0xA0];
	[tilespmem:s23+$0x40B0] =	vst v7  }
0x4f: {  	v7 =	vld [tilespmem:s24+$0x40B0]  }
0x50: {  	s28 =	simm.s32 $0x2;
	s25 =	simm.s32 $0x80;
	s26 =	simm.s32 $0x400;
	v10 =	vsub.f32 v10, v5;
	v9 =	vsub.f32 v11, v9;
	v5 =	vld [tilespmem:s24+$0x80]  }
.LBB2_3:
0x51: {  	s29 =	sand.u32 $0x40, s25;
	s30 =	sshll.u32 s28, $0x6  }
0x52: {  	s31 =	sand.u32 $0x400, s26;
	v8 =	vsub.f32 v8, v3;
	v3 =	vld [tilespmem:s24+$0x90];
	[tilespmem:s23+$0x40A0] =	vst v10;
	s0 =	smov.u32 s28;
	p0 =	sne.s32 s28, $0xFF  }
0x53: {  	s0 =	sand.u32 $0x3800, s30;
	s30 =	sshll.u32 s28, $0x5;
	s29 =	sor.u32 s29, s31;
	v10 =	vld [tilespmem:s24+$0x40A0];
	[tilespmem:s23+$0x4080] =	vst v9  }
0x54: {  	s30 =	sand.u32 $0x380, s30;
	s0 =	sor.u32 s0, s29;
	s29 =	sadd.s32 $0x1, s28;
	v9 =	vld [tilespmem:s24+$0x4080];
	[tilespmem:s23+$0x4090] =	vst v8;
	v11 =	vmov v6  }
.Ltmp0:
0x55: {  	s0 =	sor.u32 s30, s0;
	v8 =	vld [tilespmem:s24+$0x4090];
	v7 =	vsub.f32 v7, v4;
	(pc) =	sbr.rel @p0 .LBB2_3-.Ltmp0, $4  }
0x56: {  	s23 =	smov.u32 s24;
	v4 =	vld [tilespmem:s0+$0xB0];
	s24 =	smov.u32 s0  }
0x57: {  	v6 =	vld [tilespmem:s24+$0xA0];
	[tilespmem:s23+$0x40B0] =	vst v7  }
0x58: {  	v7 =	vld [tilespmem:s24+$0x40B0];
	v10 =	vsub.f32 v10, v11  }
0x59: {  	s25 =	sadd.s32 $0x40, s25;
	s26 =	sadd.s32 $0x200, s26;
	s28 =	smov.u32 s29;
	v9 =	vsub.f32 v9, v5;
	v5 =	vld [tilespmem:s24+$0x80]  }
0x5a: {  	v11 =	vld [tilespmem:s24+$0x90];
	[tilespmem:s23+$0x40A0] =	vst v10;
	v3 =	vsub.f32 v8, v3  }
0x5b: {  	v10 =	vld [tilespmem:s24+$0x40A0];
	[tilespmem:s23+$0x4080] =	vst v9  }
0x5c: {  	v62 =	vld [tilespmem:s24+$0x4080];
	[tilespmem:s23+$0x4090] =	vst v3  }
0x5d: {  	v3 =	vld [tilespmem:s24+$0x4090];
	_ =	sdelay $0x1  }
0x5e: {  	v4 =	vsub.f32 v7, v4  }
0x5f: {  	v6 =	vsub.f32 v10, v6  }
0x60: {  	[tilespmem:s24+$0x40B0] =	vst v4;
	v63 =	vsub.f32 v62, v5  }
0x61: {  	s21 =	sadd.s32 $0x1, s21;
	v3 =	vsub.f32 v3, v11;
	[tilespmem:s24+$0x40A0] =	vst v6  }
0x62: {  	p0 =	sne.s32 s21, $0x4;
	[tilespmem:s24+$0x4080] =	vst v63  }
.Ltmp1:
0x63: {  	s0 =	sadd.s32 s6, s22;
	[tilespmem:s24+$0x4090] =	vst v3;
	(pc) =	sbr.rel @p0 .LBB2_2-.Ltmp1, $4  }
0x64: {  	[hbm4b:s0+s3] =	stream.linear.scatter [tilespmem:s18], [sflag:$0x2], $0x4000, $0x38;
	[tilespmem:$0x8080] =	vst v63  }
0x65: {  	_ =	swait.ge [sflag:s9], $0x4000  }
0x66: {  	[sflag:s9] =	ssyncset.done $0x0  }
0x67: {  	[sflag:s9] =	ssyncadd.s32 $0xFFFFC000  }
0x68: {  	s20 =	sadd.s32 $0x1, s20  }
0x69: {  	p0 =	sne.s32 s20, s8  }
.Ltmp2:
0x6a: {  	_ = 	snop;
	(pc) =	sbr.rel @p0 .LBB2_1-.Ltmp2, $1  }
0x6b: {  	_ =	sdelay $0x3  }
0x6c: {  	_ =	sfence.sel $0x180000  }
0x6d: {  	[bflag:$0x0] =	sbarrier.arrive $0xFFFF  }
0x6e: {  	_ =	strace $0x90000047  }
0x6f: {  	[bflag:$0x2] =	sbarrier.arrive $0xFFFF  }
0x70: {  	p0 =	sne.s32 s4, $0x0;
	s0 =	rddreg [dreg:$0x2]  }
0x71: {  	s0 =	sadd.s32 @!p0 $0x100000, s0  }
0x72: {  	[sflag:s0] =	ssyncadd.tile.s32 @!p0 $0x1;
	_ =	shalt  }
.Lfunc_end2:
_tile_overlayer_lowered:
.L_overlay_start_2:
0x73: {  	(tag) =	ssettag $0x2  }
0x74: {  	s0 =	rddreg [dreg:$0x0];
	s2 =	stileid.u32  }
0x75: {  	s1 =	rddreg [dreg:$0x1];
	p0 =	sne.s32 s2, $0x0  }
0x76: {  	s3 =	rddreg [dreg:$0x2];
	[bflag:$0x3] =	sbarrier.arrive $0xFFFF;
	s2 =	simm.s32 @!p0 $0x1C02  }
0x77: {  	[timem:s3], [sflag:s2] =	dma.local @!p0 [hbm:s0], s1  }
0x78: {  	s0 =	simm.s32 @!p0 $0x2  }
0x79: {  	_ =	swait.ge @!p0 [sflag:s0], s1  }
0x7a: {  	s1 =	ssub.s32 @!p0 $0x0, s1;
	[sflag:s0] =	ssyncset.done @!p0 $0x0  }
0x7b: {  	[sflag:s0] =	ssyncadd.s32 @!p0 s1  }
0x7c: {  	[bflag:$0x3] =	sbarrier.arrive $0xFFFF  }
0x7d: {  	_ =	shalt  }

// kernel: kernel.9.cloned.1.call-start
scs
__scs_entry_jumppad:
0x0: {  	(pc) =	sbr.rel $0x88, $3  }
0x1: {  	(tag) =	ssettag $0x0;
	lr =	simm.s32 $0x1  }
0x2: {  	[smem:$0x3F9F] =	sst lr;
	_ =	strace $0xD0000000  }
0x3: {  	_ = 	snop  }
0x4: {  	_ = 	snop  }
0x5: {  	_ = 	snop  }
0x6: {  	_ = 	snop  }
0x7: {  	_ = 	snop  }
__scs_overlays_trampoline_lowered:
0x8: {  	[smem:$0x3FAE] =	sst s0  }
0x9: {  	[smem:$0x3FAF] =	sst s1  }
0xa: {  	[smem:$0x3FB0] =	sst s2  }
0xb: {  	[smem:$0x3FB1] =	sst s3  }
0xc: {  	[smem:$0x3FB2] =	sst s4  }
0xd: {  	[smem:$0x3FB3] =	sst s5  }
0xe: {  	[smem:$0x3FB4] =	sst s6  }
0xf: {  	[smem:$0x3FB5] =	sst s7  }
0x10: {  	[smem:$0x3FB6] =	sst s8  }
0x11: {  	[smem:$0x3FB7] =	sst s9;
	s0 =	simm.s32 @!p0 $0x0  }
0x12: {  	s1 =	sld [smem:$0x3F9D];
	s0 =	simm.s32 @p0 $0x1  }
0x13: {  	[smem:$0x3FB8] =	sst s0;
	s0 =	simm.s32 @!p1 $0x0  }
0x14: {  	s2 =	sld [smem:$0x3F9C];
	s0 =	simm.s32 @p1 $0x1  }
0x15: {  	[smem:$0x3FB9] =	sst s0;
	s0 =	simm.s32 @!p2 $0x0  }
0x16: {  	s3 =	sld [smem:$0x3FDB];
	s0 =	simm.s32 @p2 $0x1  }
0x17: {  	s4 =	simm.s32 $0x1BF5;
	[smem:$0x3FBB] =	sst s0  }
0x18: {  	s0 =	sld [smem:$0x3F9E];
	_ =	swait.ge [sflag:s4], $0x0  }
0x19: {  	s7 =	sld [smem:$0x3F9F]  }
0x1a: {  	s8 =	sadd.s32 $0xFFFFE003, lr  }
0x1b: {  	s9 =	sadd.s32 $0xFFFFFEF7, lr;
	s5 =	simm.s32 $0xFFFFFFFF;
	p2 =	slt.u32 s8, $0xFFFFF086  }
0x1c: {  	p1 =	slt.u32 s9, $0xF7A;
	s5 =	simm.s32 @!p2 $0x0  }
0x1d: {  	s5 =	simm.s32 @p1 $0x1;
	p0 =	seq.s32 s7, s2  }
0x1e: {  	s7 =	smul.u32 @!p0 $0xF7A, s2;
	p2 =	seq.s32 @!p0 s5, $0x0  }
0x1f: {  	s9 =	smul.u32 $0xF7A, s1;
	s8 =	simm.s32 @!p0 $0x1BF5;
	p2 =	por !p2, p0  }
0x20: {  	[sflag:s8] =	ssyncset.s32 @!p0 $0xFFFFF086;
	s6 =	sadd.s32 @!p0 s3, s7;
	s7 =	simm.s32 @!p0 $0x108  }
0x21: {  	s3 =	sadd.s32 s3, s9;
	s6 =	sadd.s32 @!p0 $0x88, s6;
	s7 =	simm.s32 @p2 $0x1082  }
0x22: {  	[simem:s7], [sflag:s8] =	dma.local @!p0 [hbm:s6], $0xF7A  }
0x23: {  	s9 =	sor.u32 $0xD0000000, s2;
	s6 =	simm.s32 $0x108;
	_ =	swait.ge @!p0 [sflag:s8], $0x0  }
0x24: {  	s3 =	sadd.s32 $0x88, s3;
	s6 =	simm.s32 @!p1 $0x1082;
	[sflag:s4] =	ssyncset.s32 $0xFFFFF086  }
0x25: {  	[simem:s6], [sflag:s4] =	dma.local [hbm:s3], $0xF7A  }
0x26: {  	[smem:$0x3F9F] =	sst s1;
	(tag) =	ssettag s2;
	_ =	strace s9  }
0x27: {  	s1 =	sld [smem:$0x3FAF]  }
0x28: {  	s2 =	sld [smem:$0x3FB0]  }
0x29: {  	s4 =	sld [smem:$0x3FB2]  }
0x2a: {  	p0 =	seq.s32 s5, $0x0;
	s5 =	sld [smem:$0x3FB3]  }
0x2b: {  	s6 =	sld [smem:$0x3FB4]  }
0x2c: {  	s7 =	sld [smem:$0x3FB5]  }
0x2d: {  	s3 =	simm.s32 $0x108;
	s8 =	sld [smem:$0x3FB6]  }
0x2e: {  	s3 =	simm.s32 @!p0 $0x1082;
	s9 =	sld [smem:$0x3FB7]  }
0x2f: {  	lr =	sadd.s32 s0, s3;
	s0 =	sld [smem:$0x3FAE]  }
0x30: {  	s3 =	sld [smem:$0x3FB1]  }
0x31: {  	[smem:$0x3FBA] =	sst s10  }
0x32: {  	s10 =	sld [smem:$0x3FB8];
	_ =	sdelay $0x3  }
0x33: {  	p0 =	seq.s32 s10, $0x1;
	s10 =	sld [smem:$0x3FBA];
	_ =	sdelay $0x3  }
0x34: {  	[smem:$0x3FBA] =	sst s10  }
0x35: {  	s10 =	sld [smem:$0x3FB9];
	_ =	sdelay $0x3  }
0x36: {  	p1 =	seq.s32 s10, $0x1;
	s10 =	sld [smem:$0x3FBA];
	_ =	sdelay $0x3  }
0x37: {  	[smem:$0x3FBA] =	sst s10  }
0x38: {  	s10 =	sld [smem:$0x3FBB]  }
0x39: {  	_ = 	snop;
	(pc) =	sbr.ind lr, $3  }
0x3a: {  	_ = 	snop  }
0x3b: {  	_ = 	snop  }
0x3c: {  	p2 =	seq.s32 s10, $0x1;
	s10 =	sld [smem:$0x3FBA]  }
0x3d: {  	_ =	shalt  }
0x3e: {  	_ =	shalt  }
0x3f: {  	_ =	shalt  }
0x40: {  	_ =	shalt  }
0x41: {  	_ =	shalt  }
0x42: {  	_ =	shalt  }
0x43: {  	_ =	shalt  }
0x44: {  	_ =	shalt  }
0x45: {  	_ =	shalt  }
0x46: {  	_ =	shalt  }
0x47: {  	_ =	shalt  }
0x48: {  	_ =	shalt  }
0x49: {  	_ =	shalt  }
0x4a: {  	_ =	shalt  }
0x4b: {  	_ =	shalt  }
0x4c: {  	_ =	shalt  }
0x4d: {  	_ =	shalt  }
0x4e: {  	_ =	shalt  }
0x4f: {  	_ =	shalt  }
0x50: {  	_ =	shalt  }
0x51: {  	_ =	shalt  }
0x52: {  	_ =	shalt  }
0x53: {  	_ =	shalt  }
0x54: {  	_ =	shalt  }
0x55: {  	_ =	shalt  }
0x56: {  	_ =	shalt  }
0x57: {  	_ =	shalt  }
0x58: {  	_ =	shalt  }
0x59: {  	_ =	shalt  }
0x5a: {  	_ =	shalt  }
0x5b: {  	_ =	shalt  }
0x5c: {  	_ =	shalt  }
0x5d: {  	_ =	shalt  }
0x5e: {  	_ =	shalt  }
0x5f: {  	_ =	shalt  }
0x60: {  	_ =	shalt  }
0x61: {  	_ =	shalt  }
0x62: {  	_ =	shalt  }
0x63: {  	_ =	shalt  }
0x64: {  	_ =	shalt  }
0x65: {  	_ =	shalt  }
0x66: {  	_ =	shalt  }
0x67: {  	_ =	shalt  }
0x68: {  	_ =	shalt  }
0x69: {  	_ =	shalt  }
0x6a: {  	_ =	shalt  }
0x6b: {  	_ =	shalt  }
0x6c: {  	_ =	shalt  }
0x6d: {  	_ =	shalt  }
0x6e: {  	_ =	shalt  }
0x6f: {  	_ =	shalt  }
0x70: {  	_ =	shalt  }
0x71: {  	_ =	shalt  }
0x72: {  	_ =	shalt  }
0x73: {  	_ =	shalt  }
0x74: {  	_ =	shalt  }
0x75: {  	_ =	shalt  }
0x76: {  	_ =	shalt  }
0x77: {  	_ =	shalt  }
0x78: {  	_ =	shalt  }
0x79: {  	_ =	shalt  }
0x7a: {  	_ =	shalt  }
0x7b: {  	_ =	shalt  }
0x7c: {  	_ =	shalt  }
0x7d: {  	_ =	shalt  }
0x7e: {  	_ =	shalt  }
0x7f: {  	_ =	shalt  }
0x80: {  	_ =	shalt  }
0x81: {  	_ =	shalt  }
0x82: {  	_ =	shalt  }
0x83: {  	_ =	shalt  }
0x84: {  	_ =	shalt  }
0x85: {  	_ =	shalt  }
0x86: {  	_ =	shalt  }
0x87: {  	_ =	shalt  }
.Lfunc_end0:
.L_simem_size_0:
called_computation.1_lowered:
.L_overlay_start_0:
0x88: {  	s2 =	sld [smem:$0x3FD9]  }
0x89: {  	s3 =	sld [smem:$0x3FFE];
	_ =	sdelay $0x1  }
0x8a: {  	s1 =	srdreg.scid  }
0x8b: {  	s0 =	sand.u32 $0x1, s1  }
0x8c: {  	s15 =	sshll.u32 s0, $0xA;
	s2 =	sadd.s32 s3, s2  }
0x8d: {  	s2 =	sadd.s32 s2, s15  }
0x8e: {  	[smem:$0x3FC6] =	sst s2  }
0x8f: {  	_ = 	snop  }
0x90: {  	s16 =	sld [smem:$0x3FD0];
	_ =	sdelay $0x2  }
0x91: {  	s4 =	simm.s32 $0xB;
	s5 =	simm.s32 $0x10;
	s2 =	sld [smem:$0x3FC8]  }
0x92: {  	[smem:s5], [sflag:s4] =	dma.local [hbm:s16], $0x1  }
0x93: {  	_ =	swait.eq [sflag:s4], $0x1  }
0x94: {  	[sflag:s4] =	ssyncset.done $0x0  }
0x95: {  	[sflag:s4] =	ssyncadd.s32 $0xFFFFFFFF  }
0x96: {  	s17 =	sld [smem:$0x11];
	(tm) =	ssettm $0x1  }
0x97: {  	s18 =	sld [smem:$0x3FFB];
	_ =	sdelay $0x3  }
0x98: {  	_ =	strace s18  }
0x99: {  	s3 =	sld [smem:$0x3FFC];
	_ =	sdelay $0x3  }
0x9a: {  	_ =	strace s3  }
0x9b: {  	s3 =	sld [smem:$0x3FFD];
	_ =	sdelay $0x3  }
0x9c: {  	_ =	strace s3  }
0x9d: {  	_ =	strace $0x8FFFFFFF  }
0x9e: {  	s19 =	sld [smem:$0x3FDB];
	_ =	sdelay $0x1  }
0x9f: {  	s20 =	simm.s32 $_scs_section_size  }
0xa0: {  	s6 =	simm.s32 $_size__tile_overlayer_lowered;
	s7 =	simm.s32 $_tile_overlayer_lowered  }
0xa1: {  	s8 =	simm.s32 $0x1BFF;
	s21 =	sshll.u32 s7, $0x1;
	s5 =	sadd.s32 s20, s19  }
0xa2: {  	s22 =	simm.s32 $0x0;
	s6 =	sshll.u32 s6, $0x1;
	s7 =	sadd.s32 s21, s5  }
0xa3: {  	[timem:s22], [sflag:s8] =	dma.local [hbm:s7], s6  }
0xa4: {  	_ =	swait.ge [sflag:s8], s6  }
0xa5: {  	s6 =	ssub.s32 $0x0, s6;
	[sflag:s8] =	ssyncset.done $0x0  }
0xa6: {  	[sflag:s8] =	ssyncadd.s32 s6;
	_ =	sdelay $0x1  }
0xa7: {  	s23 =	simm.s32 $0x1B8B  }
0xa8: {  	_ =	swait.ge [sflag:s23], $0x1  }
0xa9: {  	[sflag:s23] =	ssyncset.done $0x0  }
0xaa: {  	[sflag:s23] =	ssyncadd.s32 $0xFFFFFFFF  }
0xab: {  	s6 =	sld [smem:$0x0]  }
0xac: {  	s7 =	sand.u32 $0xFFFFFFFE, s1  }
0xad: {  	p0 =	sne.s32 s1, s7  }
0xae: {  	s7 =	sshll.u32 @p0 s7, $0xE  }
0xaf: {  	s7 =	sadd.s32 @p0 $0x11B8D, s7;
	s8 =	sshll.u32 @p0 s6, $0x11  }
0xb0: {  	s7 =	sor.u32 @p0 s8, s7  }
0xb1: {  	[sflag:s7] =	ssyncadd.remote.s32 @p0 $0x1;
	_ =	sdelay $0x1  }
0xb2: {  	s7 =	simm.s32 @p0 $0x1B8D  }
0xb3: {  	_ =	swait.eq @p0 [sflag:s7], $0x1  }
0xb4: {  	[sflag:s7] =	ssyncadd.s32 @p0 $0xFFFFFFFF  }
0xb5: {  	s8 =	sshll.u32 @!p0 s1, $0xE  }
0xb6: {  	s8 =	sor.u32 @!p0 $0x4000, s8;
	s7 =	simm.s32 @!p0 $0x1B8D  }
0xb7: {  	s6 =	sshll.u32 @!p0 s6, $0x11;
	s8 =	sadd.s32 @!p0 $0x11B8D, s8;
	_ =	swait.eq @!p0 [sflag:s7], $0x1  }
0xb8: {  	s6 =	sor.u32 @!p0 s6, s8;
	[sflag:s7] =	ssyncadd.s32 @!p0 $0xFFFFFFFF  }
0xb9: {  	s25 =	simm.s32 $0x1B8E;
	s24 =	sld [smem:$0x3FFE];
	[sflag:s6] =	ssyncadd.remote.s32 @!p0 $0x1  }
0xba: {  	s26 =	simm.s32 $execute0_lowered;
	[smem:$0x3FD2] =	sst s25  }
0xbb: {  	s7 =	sshll.u32 s26, $0x1;
	_ =	strace $0x80000049;
	[dreg:$0x1] =	wrdreg $0xFFFFFFFF  }
0xbc: {  	s28 =	simm.s32 $_size_execute0_lowered;
	s5 =	sadd.s32 s5, s7;
	[dreg:$0x0] =	wrdreg $0x0  }
0xbd: {  	s7 =	sshll.u32 s28, $0x1;
	[dreg:$0x2] =	wrdreg s5  }
0xbe: {  	[dreg:$0x3] =	wrdreg s7  }
0xbf: {  	[dreg:$0x4] =	wrdreg $0xC0  }
0xc0: {  	_ =	task [dreg:s22], $0x5FFFF  }
0xc1: {  	[dreg:$0x1] =	wrdreg $0xFFFFFFFF  }
0xc2: {  	[dreg:$0x0] =	wrdreg $0x60  }
0xc3: {  	[dreg:$0x2] =	wrdreg s2  }
0xc4: {  	[dreg:$0x3] =	wrdreg s24  }
0xc5: {  	[dreg:$0x4] =	wrdreg s17  }
0xc6: {  	[dreg:$0x5] =	wrdreg $0xA  }
0xc7: {  	_ =	task.clear_ibuf [dreg:s22], $0x6FFFF;
	_ =	strace $0x90000049  }
0xc8: {  	s29 =	simm.s32 $0xA;
	_ =	strace $0x8000004B  }
0xc9: {  	_ =	swait.ge [sflag:s29], $0x1  }
0xca: {  	[sflag:s29] =	ssyncadd.s32 $0xFFFFFFFF  }
0xcb: {  	_ =	strace $0x9000004B  }
0xcc: {  	_ =	sfence  }
0xcd: {  	s30 =	sld [smem:$0x0];
	_ =	sdelay $0x2  }
0xce: {  	s31 =	sshll.u32 s1, $0xD;
	s1 =	sshrl.u32 s1, $0x2  }
0xcf: {  	s4 =	sand.u32 $0x4000, s31;
	s1 =	sadd.s32 s1, s30  }
0xd0: {  	s0 =	sor.u32 s4, s0;
	s1 =	sshll.u32 s1, $0x11  }
0xd1: {  	s0 =	sor.u32 s1, s0  }
0xd2: {  	s0 =	sadd.s32 $0x8F2B, s0  }
0xd3: {  	[sflag:s0] =	ssyncadd.remote.s32 $0x1  }
0xd4: {  	_ =	sfence.sel $0xFFFF  }
0xd5: {  	[dreg:$0x0] =	wrdreg $0xFFFFFFFF;
	(pc) =	sbr.abs _section_cstart, $3  }
0xd6: {  	[dreg:$0x1] =	wrdreg $0xFFFFFFFF  }
0xd7: {  	_ =	task.clear_ibuf [dreg:s22], $0x2FFFF;
	_ =	strace $0x9FFFFFFF  }
0xd8: {  	(tm) =	ssettm $0x7FFFFFFF  }
0xd9: {  	_ =	shalt  }
tec
execute0_lowered:
.L_overlay_start_1:
0x0: {  	(tag) =	ssettag $0x1  }
0x1: {  	s1 =	rddreg [dreg:$0x0]  }
0x2: {  	s6 =	rddreg [dreg:$0x1]  }
0x3: {  	s2 =	rddreg [dreg:$0x2]  }
0x4: {  	s3 =	simm.s32 $0x0;
	s4 =	srdreg.scid;
	s10 =	simm.s32 $0x80  }
0x5: {  	s11 =	simm.s32 $0x880;
	s12 =	simm.s32 $0x1080;
	s13 =	simm.s32 $0x1880  }
0x6: {  	s14 =	simm.s32 $0x2080;
	s15 =	simm.s32 $0x2880;
	s16 =	simm.s32 $0x3080  }
0x7: {  	s17 =	simm.s32 $0x3880;
	s18 =	simm.s32 $0x4080;
	s19 =	simm.s32 $0x1  }
0x8: {  	s20 =	simm.s32 $0x0;
	[smem:$0x7FF] =	sst s3;
	s7 =	sand.u32 $0x1, s4  }
0x9: {  	s5 =	sadd.s32 $0xA0400, s6;
	s4 =	stileid.u32;
	s8 =	ssub.s32 $0x2, s7  }
0xa: {  	v2 =	vlaneseq.u32;
	s6 =	sadd.s32 $0xA0800, s6;
	_ =	strace $0x8000004A;
	s9 =	sshrl.u32 s8, $0x1  }
0xb: {  	vm0 =	vmmov $0xffff;
	v1 =	vshrl.u32 v2, $0x3;
	s31 =	sshll.u32 s4, $0x9;
	s7 =	sshll.u32 s7, $0x8;
	s8 =	ssub.s32 s8, s9  }
0xc: {  	v0 =	vand.u32 $0x7, v2;
	v2 =	vor.u32 $0x8, v2;
	v1 =	vmul.u32 $0x8, v1;
	s7 =	sor.u32 s7, s31;
	s9 =	simm.s32 $0x2;
	s8 =	smax.u32 s8, $0x1  }
.LBB2_1:
0xd: {  	s21 =	simm.s32 $0x0  }
.LBB2_2:
0xe: {  	s22 =	sshll.u32 s21, $0x6  }
0xf: {  	s22 =	sadd.s32 s7, s22  }
0x10: {  	s23 =	sshrl.u32 s22, $0x3  }
0x11: {  	s24 =	simm.s32 $0x0;
	s23 =	sadd.s32 s5, s23  }
0x12: {  	[tilespmem:s24], [sflag:$0x2] =	stream.linear.gather [hbm4b:s23+s24], $0x40, $0x38;
	[tilespmem:$0x8080] =	vst v63  }
0x13: {  	_ =	swait.ge [sflag:s9], $0x40  }
0x14: {  	[sflag:s9] =	ssyncset.done $0x0  }
0x15: {  	[sflag:s9] =	ssyncadd.s32 $0xFFFFFFC0  }
0x16: {  	v3 =	vld [tilespmem:$0x0];
	_ =	sdelay $0x4  }
0x17: {  	v4 =	vshll.u32 v3, $0x1  }
0x18: {  	v3 =	vand.u32 $0x7, v3;
	v4 =	vand.u32 $0xFFFFFFF0, v4  }
0x19: {  	v3 =	vor.u32 v3, v4  }
0x1a: {  	v4 =	vperm.xlane v3, v0;
	_ =	sdelay $0x1  }
0x1b: {  	v3 =	vperm.xlane v3, v2;
	v4 =	vadd.s32 v1, v4;
	_ =	sdelay $0x1  }
0x1c: {  	v3 =	vadd.s32 v1, v3;
	_ =	sdelay $0x2  }
0x1d: {  	[tilespmem:s10], [sflag:$0x1] =	stream.indirect_vreg.gather [hbm4b:s1+s24], $0x80, v4, vm0, $0xb8;
	[tilespmem:$0x8080] =	vst v63  }
0x1e: {  	_ = 	snop  }
0x1f: {  	[tilespmem:s11], [sflag:$0x1] =	stream.indirect_vreg.gather [hbm4b:s1+s24], $0x80, v3, vm0, $0xb8;
	[tilespmem:$0x8080] =	vst v63  }
0x20: {  	v3 =	vld [tilespmem:$0x10];
	_ =	sdelay $0x4  }
0x21: {  	v4 =	vshll.u32 v3, $0x1  }
0x22: {  	v3 =	vand.u32 $0x7, v3;
	v4 =	vand.u32 $0xFFFFFFF0, v4  }
0x23: {  	v3 =	vor.u32 v3, v4  }
0x24: {  	v4 =	vperm.xlane v3, v0;
	_ =	sdelay $0x1  }
0x25: {  	v3 =	vperm.xlane v3, v2;
	v4 =	vadd.s32 v1, v4;
	_ =	sdelay $0x1  }
0x26: {  	v3 =	vadd.s32 v1, v3;
	_ =	sdelay $0x2  }
0x27: {  	[tilespmem:s12], [sflag:$0x1] =	stream.indirect_vreg.gather [hbm4b:s1+s24], $0x80, v4, vm0, $0xb8;
	[tilespmem:$0x8080] =	vst v63  }
0x28: {  	_ = 	snop  }
0x29: {  	[tilespmem:s13], [sflag:$0x1] =	stream.indirect_vreg.gather [hbm4b:s1+s24], $0x80, v3, vm0, $0xb8;
	[tilespmem:$0x8080] =	vst v63  }
0x2a: {  	v3 =	vld [tilespmem:$0x20];
	_ =	sdelay $0x4  }
0x2b: {  	v4 =	vshll.u32 v3, $0x1  }
0x2c: {  	v3 =	vand.u32 $0x7, v3;
	v4 =	vand.u32 $0xFFFFFFF0, v4  }
0x2d: {  	v3 =	vor.u32 v3, v4  }
0x2e: {  	v4 =	vperm.xlane v3, v0;
	_ =	sdelay $0x1  }
0x2f: {  	v3 =	vperm.xlane v3, v2;
	v4 =	vadd.s32 v1, v4;
	_ =	sdelay $0x1  }
0x30: {  	v3 =	vadd.s32 v1, v3;
	_ =	sdelay $0x2  }
0x31: {  	[tilespmem:s14], [sflag:$0x1] =	stream.indirect_vreg.gather [hbm4b:s1+s24], $0x80, v4, vm0, $0xb8;
	[tilespmem:$0x8080] =	vst v63  }
0x32: {  	_ = 	snop  }
0x33: {  	[tilespmem:s15], [sflag:$0x1] =	stream.indirect_vreg.gather [hbm4b:s1+s24], $0x80, v3, vm0, $0xb8;
	[tilespmem:$0x8080] =	vst v63  }
0x34: {  	v3 =	vld [tilespmem:$0x30];
	_ =	sdelay $0x4  }
0x35: {  	v4 =	vshll.u32 v3, $0x1  }
0x36: {  	v3 =	vand.u32 $0x7, v3;
	v4 =	vand.u32 $0xFFFFFFF0, v4  }
0x37: {  	v3 =	vor.u32 v3, v4  }
0x38: {  	v4 =	vperm.xlane v3, v0;
	_ =	sdelay $0x1  }
0x39: {  	v3 =	vperm.xlane v3, v2;
	v4 =	vadd.s32 v1, v4;
	_ =	sdelay $0x1  }
0x3a: {  	v3 =	vadd.s32 v1, v3;
	_ =	sdelay $0x2  }
0x3b: {  	[tilespmem:s16], [sflag:$0x1] =	stream.indirect_vreg.gather [hbm4b:s1+s24], $0x80, v4, vm0, $0xb8;
	[tilespmem:$0x8080] =	vst v63  }
0x3c: {  	s22 =	sshll.u32 s22, $0x5  }
0x3d: {  	[tilespmem:s17], [sflag:$0x1] =	stream.indirect_vreg.gather [hbm4b:s1+s24], $0x80, v3, vm0, $0xb8;
	[tilespmem:$0x8080] =	vst v63  }
0x3e: {  	s30 =	sadd.s32 s2, s22  }
0x3f: {  	[tilespmem:s18], [sflag:$0x2] =	stream.linear.gather [hbm4b:s30+s24], $0x4000, $0x38;
	[tilespmem:$0x8080] =	vst v63  }
0x40: {  	_ =	swait.ge [sflag:s9], $0x4000  }
0x41: {  	s25 =	simm.s32 $0x0;
	s26 =	simm.s32 $0x0;
	[sflag:s9] =	ssyncset.done $0x0  }
0x42: {  	s31 =	sand.u32 $0x40, s24;
	s24 =	sand.u32 $0x400, s24;
	[sflag:s9] =	ssyncadd.s32 $0xFFFFC000  }
0x43: {  	s25 =	sand.u32 $0x3800, s25;
	s23 =	sor.u32 s31, s24;
	_ =	swait.ge [sflag:s19], $0x4000  }
0x44: {  	s0 =	sand.u32 $0x380, s26;
	s23 =	sor.u32 s25, s23;
	[sflag:s19] =	ssyncset.done $0x0  }
0x45: {  	s23 =	sor.u32 s0, s23;
	[sflag:s19] =	ssyncadd.s32 $0xFFFFC000  }
0x46: {  	v4 =	vld [tilespmem:s23+$0xB0]  }
0x47: {  	v5 =	vld [tilespmem:s23+$0xA0]  }
0x48: {  	v6 =	vld [tilespmem:s23+$0x40B0]  }
0x49: {  	s29 =	simm.s32 $0x200;
	s26 =	simm.s32 $0x40;
	v9 =	vld [tilespmem:s23+$0x80]  }
0x4a: {  	s30 =	simm.s32 $0x40;
	s24 =	sand.u32 $0x40, s26;
	s25 =	sand.u32 $0x400, s29;
	v3 =	vld [tilespmem:s23+$0x90]  }
0x4b: {  	s28 =	simm.s32 $0x20;
	s26 =	sand.u32 $0x3800, s30;
	s24 =	sor.u32 s24, s25;
	v10 =	vld [tilespmem:s23+$0x40A0]  }
0x4c: {  	s31 =	sand.u32 $0x380, s28;
	s24 =	sor.u32 s26, s24;
	v11 =	vld [tilespmem:s23+$0x4080]  }
0x4d: {  	s24 =	sor.u32 s31, s24;
	v8 =	vld [tilespmem:s23+$0x4090];
	v7 =	vsub.f32 v6, v4  }
0x4e: {  	v4 =	vld [tilespmem:s24+$0xB0]  }
0x4f: {  	v6 =	vld [tilespmem:s24+$0xA0];
	[tilespmem:s23+$0x40B0] =	vst v7  }
0x50: {  	v7 =	vld [tilespmem:s24+$0x40B0]  }
0x51: {  	s28 =	simm.s32 $0x2;
	s25 =	simm.s32 $0x80;
	s26 =	simm.s32 $0x400;
	v10 =	vsub.f32 v10, v5;
	v9 =	vsub.f32 v11, v9;
	v5 =	vld [tilespmem:s24+$0x80]  }
.LBB2_3:
0x52: {  	s29 =	sand.u32 $0x40, s25;
	s30 =	sshll.u32 s28, $0x6  }
0x53: {  	s31 =	sand.u32 $0x400, s26;
	v8 =	vsub.f32 v8, v3;
	v3 =	vld [tilespmem:s24+$0x90];
	[tilespmem:s23+$0x40A0] =	vst v10;
	s0 =	smov.u32 s28;
	p0 =	sne.s32 s28, $0xFF  }
0x54: {  	s0 =	sand.u32 $0x3800, s30;
	s30 =	sshll.u32 s28, $0x5;
	s29 =	sor.u32 s29, s31;
	v10 =	vld [tilespmem:s24+$0x40A0];
	[tilespmem:s23+$0x4080] =	vst v9  }
0x55: {  	s30 =	sand.u32 $0x380, s30;
	s0 =	sor.u32 s0, s29;
	s29 =	sadd.s32 $0x1, s28;
	v9 =	vld [tilespmem:s24+$0x4080];
	[tilespmem:s23+$0x4090] =	vst v8;
	v11 =	vmov v6  }
.Ltmp0:
0x56: {  	s0 =	sor.u32 s30, s0;
	v8 =	vld [tilespmem:s24+$0x4090];
	v7 =	vsub.f32 v7, v4;
	(pc) =	sbr.rel @p0 .LBB2_3-.Ltmp0, $4  }
0x57: {  	s23 =	smov.u32 s24;
	v4 =	vld [tilespmem:s0+$0xB0];
	s24 =	smov.u32 s0  }
0x58: {  	v6 =	vld [tilespmem:s24+$0xA0];
	[tilespmem:s23+$0x40B0] =	vst v7  }
0x59: {  	v7 =	vld [tilespmem:s24+$0x40B0];
	v10 =	vsub.f32 v10, v11  }
0x5a: {  	s25 =	sadd.s32 $0x40, s25;
	s26 =	sadd.s32 $0x200, s26;
	s28 =	smov.u32 s29;
	v9 =	vsub.f32 v9, v5;
	v5 =	vld [tilespmem:s24+$0x80]  }
0x5b: {  	v11 =	vld [tilespmem:s24+$0x90];
	[tilespmem:s23+$0x40A0] =	vst v10;
	v3 =	vsub.f32 v8, v3  }
0x5c: {  	v10 =	vld [tilespmem:s24+$0x40A0];
	[tilespmem:s23+$0x4080] =	vst v9  }
0x5d: {  	v62 =	vld [tilespmem:s24+$0x4080];
	[tilespmem:s23+$0x4090] =	vst v3  }
0x5e: {  	v3 =	vld [tilespmem:s24+$0x4090];
	_ =	sdelay $0x1  }
0x5f: {  	v4 =	vsub.f32 v7, v4  }
0x60: {  	v6 =	vsub.f32 v10, v6  }
0x61: {  	[tilespmem:s24+$0x40B0] =	vst v4;
	v63 =	vsub.f32 v62, v5  }
0x62: {  	s21 =	sadd.s32 $0x1, s21;
	v3 =	vsub.f32 v3, v11;
	[tilespmem:s24+$0x40A0] =	vst v6  }
0x63: {  	p0 =	sne.s32 s21, $0x4;
	[tilespmem:s24+$0x4080] =	vst v63  }
.Ltmp1:
0x64: {  	s0 =	sadd.s32 s6, s22;
	[tilespmem:s24+$0x4090] =	vst v3;
	(pc) =	sbr.rel @p0 .LBB2_2-.Ltmp1, $4  }
0x65: {  	[hbm4b:s0+s3] =	stream.linear.scatter [tilespmem:s18], [sflag:$0x2], $0x4000, $0x38;
	[tilespmem:$0x8080] =	vst v63  }
0x66: {  	_ =	swait.ge [sflag:s9], $0x4000  }
0x67: {  	[sflag:s9] =	ssyncset.done $0x0  }
0x68: {  	[sflag:s9] =	ssyncadd.s32 $0xFFFFC000  }
0x69: {  	s20 =	sadd.s32 $0x1, s20  }
0x6a: {  	p0 =	sne.s32 s20, s8  }
.Ltmp2:
0x6b: {  	_ = 	snop;
	(pc) =	sbr.rel @p0 .LBB2_1-.Ltmp2, $1  }
0x6c: {  	_ =	sdelay $0x3  }
0x6d: {  	_ =	sfence.sel $0x180000  }
0x6e: {  	[bflag:$0x0] =	sbarrier.arrive $0xFFFF  }
0x6f: {  	_ =	strace $0x9000004A  }
0x70: {  	[bflag:$0x2] =	sbarrier.arrive $0xFFFF  }
0x71: {  	p0 =	sne.s32 s4, $0x0;
	s0 =	rddreg [dreg:$0x3]  }
0x72: {  	s0 =	sadd.s32 @!p0 $0x100000, s0  }
0x73: {  	[sflag:s0] =	ssyncadd.tile.s32 @!p0 $0x1;
	_ =	shalt  }
.Lfunc_end2:
_tile_overlayer_lowered:
.L_overlay_start_2:
0x74: {  	(tag) =	ssettag $0x2  }
0x75: {  	s0 =	rddreg [dreg:$0x0];
	s2 =	stileid.u32  }
0x76: {  	s1 =	rddreg [dreg:$0x1];
	p0 =	sne.s32 s2, $0x0  }
0x77: {  	s3 =	rddreg [dreg:$0x2];
	[bflag:$0x3] =	sbarrier.arrive $0xFFFF;
	s2 =	simm.s32 @!p0 $0x1C02  }
0x78: {  	[timem:s3], [sflag:s2] =	dma.local @!p0 [hbm:s0], s1  }
0x79: {  	s0 =	simm.s32 @!p0 $0x2  }
0x7a: {  	_ =	swait.ge @!p0 [sflag:s0], s1  }
0x7b: {  	s1 =	ssub.s32 @!p0 $0x0, s1;
	[sflag:s0] =	ssyncset.done @!p0 $0x0  }
0x7c: {  	[sflag:s0] =	ssyncadd.s32 @!p0 s1  }
0x7d: {  	[bflag:$0x3] =	sbarrier.arrive $0xFFFF  }
0x7e: {  	_ =	shalt  }

</sc_bundles>
